<compile_context>
chip_gen: v7x
topology: tpu7x:2x2x1
jax: 0.10.2.dev20260603
libtpu: 0.0.44.dev20260713+nightly
codegen_flags: <defaults>
</compile_context>

<pallas_src>
import functools

import jax
import jax.numpy as jnp
from jax import lax
from jax.experimental import pallas as pl
from jax.experimental.pallas import tpu as pltpu
from jax.experimental.pallas import tpu_sc as plsc

EMB = 128
NBATCH = 4096
SEQ = 50
ROWS = NBATCH * SEQ

try:
    _info = plsc.get_sparse_core_info()
    _NC, _NS = int(_info.num_cores), int(_info.num_subcores)
except Exception:
    _NC, _NS = 2, 16
NW = _NC * _NS
ROWS_PER_W = ROWS // NW
CHUNK = 64
CHUNKS_PER_W = ROWS_PER_W // CHUNK
NBUF = 10
DEPTH = 6


def _make_gather():
    mesh = plsc.VectorSubcoreMesh(core_axis_name="c", subcore_axis_name="s")

    @functools.partial(
        pl.kernel,
        mesh=mesh,
        out_type=jax.ShapeDtypeStruct((ROWS, EMB), jnp.float32),
        scratch_types=[
            pltpu.VMEM((CHUNKS_PER_W, CHUNK), jnp.int32),
            [pltpu.VMEM((CHUNK, EMB), jnp.float32) for _ in range(NBUF)],
            [pltpu.SemaphoreType.DMA for _ in range(NBUF)],
            [pltpu.SemaphoreType.DMA for _ in range(NBUF)],
        ],
    )
    def gather_kernel(tok_hbm, table_hbm, out_hbm, idx_v, bufs, gsems, wsems):
        wid = lax.axis_index("s") * _NC + lax.axis_index("c")
        base = wid * ROWS_PER_W
        pltpu.sync_copy(tok_hbm.at[wid], idx_v)

        def gather(j, b):
            return pltpu.async_copy(table_hbm.at[idx_v.at[j]], bufs[b], gsems[b])

        def wback(j, b):
            return pltpu.async_copy(
                bufs[b], out_hbm.at[pl.ds(base + j * CHUNK, CHUNK)], wsems[b]
            )

        for b in range(DEPTH):
            gather(b, b)

        @pl.loop(0, CHUNKS_PER_W, step=NBUF)
        def _round(j0):
            for b in range(NBUF):
                j = j0 + b
                pltpu.make_async_copy(table_hbm.at[idx_v.at[j]], bufs[b], gsems[b]).wait()
                wback(j, b)
                jn = j + DEPTH
                bn = (b + DEPTH) % NBUF

                @pl.when(jn < CHUNKS_PER_W)
                def _():
                    @pl.when(jn >= NBUF)
                    def _():
                        pltpu.make_async_copy(
                            bufs[bn],
                            out_hbm.at[pl.ds(base + (jn - NBUF) * CHUNK, CHUNK)],
                            wsems[bn],
                        ).wait()

                    gather(jn, bn)

        for b in range(NBUF):
            j = CHUNKS_PER_W - NBUF + b
            pltpu.make_async_copy(
                bufs[b], out_hbm.at[pl.ds(base + j * CHUNK, CHUNK)], wsems[b]
            ).wait()

    return gather_kernel


_gather = _make_gather()


def kernel(tokens, emb_table):
    tok3d = tokens.T.reshape(NW, CHUNKS_PER_W, CHUNK).astype(jnp.int32)
    out = _gather(tok3d, emb_table)
    return out.reshape(SEQ, NBATCH, EMB).transpose(1, 0, 2)

# --- scband reference (transcript-rebuilt; emitter-appended) ---
"""Pipeline reference for scband-text-encoder-10780367913120 (READ-ONLY COPY).

The authoritative reference and input builder live on the scoring server;
editing this copy changes nothing except your own understanding.
"""

import jax, jax.numpy as jnp
import numpy as np

VOCAB = 100000
EMB = 128
B = 4096
L = 50

def setup_inputs(seed: int = 0) -> dict:
    key = jax.random.key(seed)
    k1, k2 = jax.random.split(key)
    tokens = jax.random.randint(k1, (B, L), 0, VOCAB, dtype=jnp.int64 if jax.config.jax_enable_x64 else jnp.int32)
    emb_table = jax.random.normal(k2, (VOCAB, EMB), dtype=jnp.float32)
    return {"tokens": tokens, "emb_table": emb_table}

def reference(tokens, emb_table):
    # Faithful translation of nn.Embedding lookup: emb(tokens)
    return jnp.take(emb_table, tokens, axis=0)

if __name__ == "__main__":
    import jax
    _d = setup_inputs()
    print(jax.jit(kernel)(*tuple(_d.values())))

</pallas_src>

<mosaic_0001>
#map = affine_map<(d0, d1) -> (0, 0, 0)>
#map1 = affine_map<(d0, d1) -> (0, 0)>
module attributes {stable_mosaic.version = 14 : i64} {
  func.func @gather_kernel(%arg0: i32, %arg1: i32, %arg2: memref<32x100x64xi32, #tpu.memory_space<hbm>>, %arg3: memref<100000x128xf32, #tpu.memory_space<hbm>>, %arg4: memref<204800x128xf32, #tpu.memory_space<hbm>>, %arg5: memref<100x64xi32, #tpu.memory_space<vmem>>, %arg6: memref<64x128xf32, #tpu.memory_space<vmem>>, %arg7: memref<64x128xf32, #tpu.memory_space<vmem>>, %arg8: memref<64x128xf32, #tpu.memory_space<vmem>>, %arg9: memref<64x128xf32, #tpu.memory_space<vmem>>, %arg10: memref<64x128xf32, #tpu.memory_space<vmem>>, %arg11: memref<64x128xf32, #tpu.memory_space<vmem>>, %arg12: memref<64x128xf32, #tpu.memory_space<vmem>>, %arg13: memref<64x128xf32, #tpu.memory_space<vmem>>, %arg14: memref<64x128xf32, #tpu.memory_space<vmem>>, %arg15: memref<64x128xf32, #tpu.memory_space<vmem>>, %arg16: memref<!tpu.dma_semaphore, #tpu.memory_space<semaphore_mem>>, %arg17: memref<!tpu.dma_semaphore, #tpu.memory_space<semaphore_mem>>, %arg18: memref<!tpu.dma_semaphore, #tpu.memory_space<semaphore_mem>>, %arg19: memref<!tpu.dma_semaphore, #tpu.memory_space<semaphore_mem>>, %arg20: memref<!tpu.dma_semaphore, #tpu.memory_space<semaphore_mem>>, %arg21: memref<!tpu.dma_semaphore, #tpu.memory_space<semaphore_mem>>, %arg22: memref<!tpu.dma_semaphore, #tpu.memory_space<semaphore_mem>>, %arg23: memref<!tpu.dma_semaphore, #tpu.memory_space<semaphore_mem>>, %arg24: memref<!tpu.dma_semaphore, #tpu.memory_space<semaphore_mem>>, %arg25: memref<!tpu.dma_semaphore, #tpu.memory_space<semaphore_mem>>, %arg26: memref<!tpu.dma_semaphore, #tpu.memory_space<semaphore_mem>>, %arg27: memref<!tpu.dma_semaphore, #tpu.memory_space<semaphore_mem>>, %arg28: memref<!tpu.dma_semaphore, #tpu.memory_space<semaphore_mem>>, %arg29: memref<!tpu.dma_semaphore, #tpu.memory_space<semaphore_mem>>, %arg30: memref<!tpu.dma_semaphore, #tpu.memory_space<semaphore_mem>>, %arg31: memref<!tpu.dma_semaphore, #tpu.memory_space<semaphore_mem>>, %arg32: memref<!tpu.dma_semaphore, #tpu.memory_space<semaphore_mem>>, %arg33: memref<!tpu.dma_semaphore, #tpu.memory_space<semaphore_mem>>, %arg34: memref<!tpu.dma_semaphore, #tpu.memory_space<semaphore_mem>>, %arg35: memref<!tpu.dma_semaphore, #tpu.memory_space<semaphore_mem>>) attributes {dimension_semantics = [#tpu.dimension_semantics<core_parallel>, #tpu.dimension_semantics<subcore_parallel>], iteration_bounds = array<i64: 2, 16>, scalar_prefetch = 0 : i64, scratch_operands = 31 : i64, tpu.core_type = #tpu.core_type<sc_vector_subcore>, window_params = [{transform_indices = #map}, {transform_indices = #map1}, {transform_indices = #map1}]} {
    %mul3A = arith.constant 2 : i32
    %mul3A_0 = arith.muli %arg1, %mul3A : i32
    %add3A = arith.addi %mul3A_0, %arg0 : i32
    %mul3A_1 = arith.constant 6400 : i32
    %mul3A_2 = arith.muli %add3A, %mul3A_1 : i32
    "tpu.region"() ({
      %run_scoped3A = tpu.sem_alloc : memref<!tpu.dma_semaphore, #tpu.memory_space<semaphore_mem>>
      %dma_start3A_107 = arith.constant 0 : i32
      %dma_start3A_108 = arith.constant 0 : i32
      %dma_start3A_109 = tpu.memref_slice %arg2[%add3A, %dma_start3A_107, %dma_start3A_108] : memref<32x100x64xi32, #tpu.memory_space<hbm>> -> memref<1x100x64xi32, #tpu.memory_space<hbm>>
      %dma_start3A_110 = tpu.memref_squeeze %dma_start3A_109 : memref<1x100x64xi32, #tpu.memory_space<hbm>> -> memref<100x64xi32, #tpu.memory_space<hbm>>
      %dma_start3A_111 = arith.constant 0 : i32
      %dma_start3A_112 = arith.constant 0 : i32
      %dma_start3A_113 = tpu.memref_slice %arg2[%add3A, %dma_start3A_111, %dma_start3A_112] : memref<32x100x64xi32, #tpu.memory_space<hbm>> -> memref<1x100x64xi32, #tpu.memory_space<hbm>>
      %dma_start3A_114 = tpu.memref_squeeze %dma_start3A_113 : memref<1x100x64xi32, #tpu.memory_space<hbm>> -> memref<100x64xi32, #tpu.memory_space<hbm>>
      tpu.enqueue_dma source(%dma_start3A_114 : memref<100x64xi32, #tpu.memory_space<hbm>>) target(%arg5 : memref<100x64xi32, #tpu.memory_space<vmem>>) target_semaphore(%run_scoped3A : memref<!tpu.dma_semaphore, #tpu.memory_space<semaphore_mem>>)
      %dma_wait3A_115 = arith.constant 0 : i32
      %dma_wait3A_116 = arith.constant 0 : i32
      %dma_wait3A_117 = tpu.memref_slice %arg2[%add3A, %dma_wait3A_115, %dma_wait3A_116] : memref<32x100x64xi32, #tpu.memory_space<hbm>> -> memref<1x100x64xi32, #tpu.memory_space<hbm>>
      %dma_wait3A_118 = tpu.memref_squeeze %dma_wait3A_117 : memref<1x100x64xi32, #tpu.memory_space<hbm>> -> memref<100x64xi32, #tpu.memory_space<hbm>>
      %dma_wait3A_119 = arith.constant 0 : i32
      %dma_wait3A_120 = arith.constant 0 : i32
      %dma_wait3A_121 = tpu.memref_slice %arg2[%add3A, %dma_wait3A_119, %dma_wait3A_120] : memref<32x100x64xi32, #tpu.memory_space<hbm>> -> memref<1x100x64xi32, #tpu.memory_space<hbm>>
      %dma_wait3A_122 = tpu.memref_squeeze %dma_wait3A_121 : memref<1x100x64xi32, #tpu.memory_space<hbm>> -> memref<100x64xi32, #tpu.memory_space<hbm>>
      tpu.wait_dma2 semaphore(%run_scoped3A : memref<!tpu.dma_semaphore, #tpu.memory_space<semaphore_mem>>) src(%dma_wait3A_122 : memref<100x64xi32, #tpu.memory_space<hbm>>) dst(%arg5 : memref<100x64xi32, #tpu.memory_space<vmem>>)
      tpu.yield
    }) : () -> ()
    %dma_start3A = arith.constant 0 : i32
    %dma_start3A_3 = arith.constant 0 : i32
    %dma_start3A_4 = tpu.memref_slice %arg5[%dma_start3A, %dma_start3A_3] : memref<100x64xi32, #tpu.memory_space<vmem>> -> memref<1x64xi32, #tpu.memory_space<vmem>>
    %dma_start3A_5 = tpu.memref_squeeze %dma_start3A_4 : memref<1x64xi32, #tpu.memory_space<vmem>> -> memref<64xi32, #tpu.memory_space<vmem>>
    %dma_start3A_6 = arith.constant 0 : i32
    %dma_start3A_7 = arith.constant 0 : i32
    %dma_start3A_8 = tpu.memref_slice %arg3[%dma_start3A_6, %dma_start3A_7] : memref<100000x128xf32, #tpu.memory_space<hbm>> -> memref<100000x128xf32, #tpu.memory_space<hbm>>
    tpu.enqueue_indirect_dma source(%dma_start3A_8 : memref<100000x128xf32, #tpu.memory_space<hbm>>) target(%arg6 : memref<64x128xf32, #tpu.memory_space<vmem>>) offsets(%dma_start3A_5 : memref<64xi32, #tpu.memory_space<vmem>>) semaphore(%arg16 : memref<!tpu.dma_semaphore, #tpu.memory_space<semaphore_mem>>)
    %dma_start3A_9 = arith.constant 1 : i32
    %dma_start3A_10 = arith.constant 0 : i32
    %dma_start3A_11 = tpu.memref_slice %arg5[%dma_start3A_9, %dma_start3A_10] : memref<100x64xi32, #tpu.memory_space<vmem>> -> memref<1x64xi32, #tpu.memory_space<vmem>>
    %dma_start3A_12 = tpu.memref_squeeze %dma_start3A_11 : memref<1x64xi32, #tpu.memory_space<vmem>> -> memref<64xi32, #tpu.memory_space<vmem>>
    %dma_start3A_13 = arith.constant 0 : i32
    %dma_start3A_14 = arith.constant 0 : i32
    %dma_start3A_15 = tpu.memref_slice %arg3[%dma_start3A_13, %dma_start3A_14] : memref<100000x128xf32, #tpu.memory_space<hbm>> -> memref<100000x128xf32, #tpu.memory_space<hbm>>
    tpu.enqueue_indirect_dma source(%dma_start3A_15 : memref<100000x128xf32, #tpu.memory_space<hbm>>) target(%arg7 : memref<64x128xf32, #tpu.memory_space<vmem>>) offsets(%dma_start3A_12 : memref<64xi32, #tpu.memory_space<vmem>>) semaphore(%arg17 : memref<!tpu.dma_semaphore, #tpu.memory_space<semaphore_mem>>)
    %dma_start3A_16 = arith.constant 2 : i32
    %dma_start3A_17 = arith.constant 0 : i32
    %dma_start3A_18 = tpu.memref_slice %arg5[%dma_start3A_16, %dma_start3A_17] : memref<100x64xi32, #tpu.memory_space<vmem>> -> memref<1x64xi32, #tpu.memory_space<vmem>>
    %dma_start3A_19 = tpu.memref_squeeze %dma_start3A_18 : memref<1x64xi32, #tpu.memory_space<vmem>> -> memref<64xi32, #tpu.memory_space<vmem>>
    %dma_start3A_20 = arith.constant 0 : i32
    %dma_start3A_21 = arith.constant 0 : i32
    %dma_start3A_22 = tpu.memref_slice %arg3[%dma_start3A_20, %dma_start3A_21] : memref<100000x128xf32, #tpu.memory_space<hbm>> -> memref<100000x128xf32, #tpu.memory_space<hbm>>
    tpu.enqueue_indirect_dma source(%dma_start3A_22 : memref<100000x128xf32, #tpu.memory_space<hbm>>) target(%arg8 : memref<64x128xf32, #tpu.memory_space<vmem>>) offsets(%dma_start3A_19 : memref<64xi32, #tpu.memory_space<vmem>>) semaphore(%arg18 : memref<!tpu.dma_semaphore, #tpu.memory_space<semaphore_mem>>)
    %dma_start3A_23 = arith.constant 3 : i32
    %dma_start3A_24 = arith.constant 0 : i32
    %dma_start3A_25 = tpu.memref_slice %arg5[%dma_start3A_23, %dma_start3A_24] : memref<100x64xi32, #tpu.memory_space<vmem>> -> memref<1x64xi32, #tpu.memory_space<vmem>>
    %dma_start3A_26 = tpu.memref_squeeze %dma_start3A_25 : memref<1x64xi32, #tpu.memory_space<vmem>> -> memref<64xi32, #tpu.memory_space<vmem>>
    %dma_start3A_27 = arith.constant 0 : i32
    %dma_start3A_28 = arith.constant 0 : i32
    %dma_start3A_29 = tpu.memref_slice %arg3[%dma_start3A_27, %dma_start3A_28] : memref<100000x128xf32, #tpu.memory_space<hbm>> -> memref<100000x128xf32, #tpu.memory_space<hbm>>
    tpu.enqueue_indirect_dma source(%dma_start3A_29 : memref<100000x128xf32, #tpu.memory_space<hbm>>) target(%arg9 : memref<64x128xf32, #tpu.memory_space<vmem>>) offsets(%dma_start3A_26 : memref<64xi32, #tpu.memory_space<vmem>>) semaphore(%arg19 : memref<!tpu.dma_semaphore, #tpu.memory_space<semaphore_mem>>)
    %dma_start3A_30 = arith.constant 4 : i32
    %dma_start3A_31 = arith.constant 0 : i32
    %dma_start3A_32 = tpu.memref_slice %arg5[%dma_start3A_30, %dma_start3A_31] : memref<100x64xi32, #tpu.memory_space<vmem>> -> memref<1x64xi32, #tpu.memory_space<vmem>>
    %dma_start3A_33 = tpu.memref_squeeze %dma_start3A_32 : memref<1x64xi32, #tpu.memory_space<vmem>> -> memref<64xi32, #tpu.memory_space<vmem>>
    %dma_start3A_34 = arith.constant 0 : i32
    %dma_start3A_35 = arith.constant 0 : i32
    %dma_start3A_36 = tpu.memref_slice %arg3[%dma_start3A_34, %dma_start3A_35] : memref<100000x128xf32, #tpu.memory_space<hbm>> -> memref<100000x128xf32, #tpu.memory_space<hbm>>
    tpu.enqueue_indirect_dma source(%dma_start3A_36 : memref<100000x128xf32, #tpu.memory_space<hbm>>) target(%arg10 : memref<64x128xf32, #tpu.memory_space<vmem>>) offsets(%dma_start3A_33 : memref<64xi32, #tpu.memory_space<vmem>>) semaphore(%arg20 : memref<!tpu.dma_semaphore, #tpu.memory_space<semaphore_mem>>)
    %dma_start3A_37 = arith.constant 5 : i32
    %dma_start3A_38 = arith.constant 0 : i32
    %dma_start3A_39 = tpu.memref_slice %arg5[%dma_start3A_37, %dma_start3A_38] : memref<100x64xi32, #tpu.memory_space<vmem>> -> memref<1x64xi32, #tpu.memory_space<vmem>>
    %dma_start3A_40 = tpu.memref_squeeze %dma_start3A_39 : memref<1x64xi32, #tpu.memory_space<vmem>> -> memref<64xi32, #tpu.memory_space<vmem>>
    %dma_start3A_41 = arith.constant 0 : i32
    %dma_start3A_42 = arith.constant 0 : i32
    %dma_start3A_43 = tpu.memref_slice %arg3[%dma_start3A_41, %dma_start3A_42] : memref<100000x128xf32, #tpu.memory_space<hbm>> -> memref<100000x128xf32, #tpu.memory_space<hbm>>
    tpu.enqueue_indirect_dma source(%dma_start3A_43 : memref<100000x128xf32, #tpu.memory_space<hbm>>) target(%arg11 : memref<64x128xf32, #tpu.memory_space<vmem>>) offsets(%dma_start3A_40 : memref<64xi32, #tpu.memory_space<vmem>>) semaphore(%arg21 : memref<!tpu.dma_semaphore, #tpu.memory_space<semaphore_mem>>)
    %scan3A = arith.constant 0 : i32
    %scan3A_44 = arith.constant 10 : i32
    %scan3A_45 = arith.addi %scan3A, %scan3A_44 : i32
    %scan3A_46 = arith.constant 1 : i32
    scf.for %scan3A_107 = %scan3A to %scan3A_45 step %scan3A_46  : i32 {
      %mul3A_108 = arith.constant 10 : i32
      %mul3A_109 = arith.muli %scan3A_107, %mul3A_108 : i32
      %add3A_110 = arith.constant 0 : i32
      %add3A_111 = arith.addi %add3A_110, %mul3A_109 : i32
      %add3A_112 = arith.constant 0 : i32
      %add3A_113 = arith.addi %add3A_111, %add3A_112 : i32
      %dma_wait3A_114 = arith.constant 0 : i32
      %dma_wait3A_115 = tpu.memref_slice %arg5[%add3A_113, %dma_wait3A_114] : memref<100x64xi32, #tpu.memory_space<vmem>> -> memref<1x64xi32, #tpu.memory_space<vmem>>
      %dma_wait3A_116 = tpu.memref_squeeze %dma_wait3A_115 : memref<1x64xi32, #tpu.memory_space<vmem>> -> memref<64xi32, #tpu.memory_space<vmem>>
      %dma_wait3A_117 = arith.constant 0 : i32
      %dma_wait3A_118 = arith.constant 0 : i32
      %dma_wait3A_119 = tpu.memref_slice %arg3[%dma_wait3A_117, %dma_wait3A_118] : memref<100000x128xf32, #tpu.memory_space<hbm>> -> memref<100000x128xf32, #tpu.memory_space<hbm>>
      tpu.wait_indirect_dma semaphore(%arg16 : memref<!tpu.dma_semaphore, #tpu.memory_space<semaphore_mem>>) src(%dma_wait3A_119 : memref<100000x128xf32, #tpu.memory_space<hbm>>) dst(%arg6 : memref<64x128xf32, #tpu.memory_space<vmem>>)
      %mul3A_120 = arith.constant 64 : i32
      %mul3A_121 = arith.muli %add3A_113, %mul3A_120 : i32
      %add3A_122 = arith.addi %mul3A_2, %mul3A_121 : i32
      %dma_start3A_123 = arith.constant 0 : i32
      %dma_start3A_124 = tpu.memref_slice %arg4[%add3A_122, %dma_start3A_123] : memref<204800x128xf32, #tpu.memory_space<hbm>> -> memref<64x128xf32, #tpu.memory_space<hbm>>
      %dma_start3A_125 = arith.constant 0 : i32
      %dma_start3A_126 = tpu.memref_slice %arg4[%add3A_122, %dma_start3A_125] : memref<204800x128xf32, #tpu.memory_space<hbm>> -> memref<64x128xf32, #tpu.memory_space<hbm>>
      tpu.enqueue_dma source(%arg6 : memref<64x128xf32, #tpu.memory_space<vmem>>) target(%dma_start3A_126 : memref<64x128xf32, #tpu.memory_space<hbm>>) target_semaphore(%arg26 : memref<!tpu.dma_semaphore, #tpu.memory_space<semaphore_mem>>)
      %add3A_127 = arith.constant 6 : i32
      %add3A_128 = arith.addi %add3A_113, %add3A_127 : i32
      %lt3A = arith.constant 100 : i32
      %lt3A_129 = arith.cmpi slt, %add3A_128, %lt3A : i32
      %convert_element_type3A = arith.extui %lt3A_129 : i1 to i32
      %cond3A = arith.constant 0 : i32
      %cond3A_130 = arith.cmpi ne, %convert_element_type3A, %cond3A : i32
      scf.if %cond3A_130 {
        %ge3A = arith.constant 10 : i32
        %ge3A_329 = arith.cmpi sge, %add3A_128, %ge3A : i32
        %convert_element_type3A_330 = arith.extui %ge3A_329 : i1 to i32
        %cond3A_331 = arith.constant 0 : i32
        %cond3A_332 = arith.cmpi ne, %convert_element_type3A_330, %cond3A_331 : i32
        scf.if %cond3A_332 {
          %sub3A = arith.constant 10 : i32
          %sub3A_339 = arith.subi %add3A_128, %sub3A : i32
          %mul3A_340 = arith.constant 64 : i32
          %mul3A_341 = arith.muli %sub3A_339, %mul3A_340 : i32
          %add3A_342 = arith.addi %mul3A_2, %mul3A_341 : i32
          %dma_wait3A_343 = arith.constant 0 : i32
          %dma_wait3A_344 = tpu.memref_slice %arg4[%add3A_342, %dma_wait3A_343] : memref<204800x128xf32, #tpu.memory_space<hbm>> -> memref<64x128xf32, #tpu.memory_space<hbm>>
          %dma_wait3A_345 = arith.constant 0 : i32
          %dma_wait3A_346 = tpu.memref_slice %arg4[%add3A_342, %dma_wait3A_345] : memref<204800x128xf32, #tpu.memory_space<hbm>> -> memref<64x128xf32, #tpu.memory_space<hbm>>
          tpu.wait_dma2 semaphore(%arg32 : memref<!tpu.dma_semaphore, #tpu.memory_space<semaphore_mem>>) src(%arg12 : memref<64x128xf32, #tpu.memory_space<vmem>>) dst(%dma_wait3A_346 : memref<64x128xf32, #tpu.memory_space<hbm>>)
        } else {
        }
        %dma_start3A_333 = arith.constant 0 : i32
        %dma_start3A_334 = tpu.memref_slice %arg5[%add3A_128, %dma_start3A_333] : memref<100x64xi32, #tpu.memory_space<vmem>> -> memref<1x64xi32, #tpu.memory_space<vmem>>
        %dma_start3A_335 = tpu.memref_squeeze %dma_start3A_334 : memref<1x64xi32, #tpu.memory_space<vmem>> -> memref<64xi32, #tpu.memory_space<vmem>>
        %dma_start3A_336 = arith.constant 0 : i32
        %dma_start3A_337 = arith.constant 0 : i32
        %dma_start3A_338 = tpu.memref_slice %arg3[%dma_start3A_336, %dma_start3A_337] : memref<100000x128xf32, #tpu.memory_space<hbm>> -> memref<100000x128xf32, #tpu.memory_space<hbm>>
        tpu.enqueue_indirect_dma source(%dma_start3A_338 : memref<100000x128xf32, #tpu.memory_space<hbm>>) target(%arg12 : memref<64x128xf32, #tpu.memory_space<vmem>>) offsets(%dma_start3A_335 : memref<64xi32, #tpu.memory_space<vmem>>) semaphore(%arg22 : memref<!tpu.dma_semaphore, #tpu.memory_space<semaphore_mem>>)
      } else {
      }
      %add3A_131 = arith.constant 1 : i32
      %add3A_132 = arith.addi %add3A_111, %add3A_131 : i32
      %dma_wait3A_133 = arith.constant 0 : i32
      %dma_wait3A_134 = tpu.memref_slice %arg5[%add3A_132, %dma_wait3A_133] : memref<100x64xi32, #tpu.memory_space<vmem>> -> memref<1x64xi32, #tpu.memory_space<vmem>>
      %dma_wait3A_135 = tpu.memref_squeeze %dma_wait3A_134 : memref<1x64xi32, #tpu.memory_space<vmem>> -> memref<64xi32, #tpu.memory_space<vmem>>
      %dma_wait3A_136 = arith.constant 0 : i32
      %dma_wait3A_137 = arith.constant 0 : i32
      %dma_wait3A_138 = tpu.memref_slice %arg3[%dma_wait3A_136, %dma_wait3A_137] : memref<100000x128xf32, #tpu.memory_space<hbm>> -> memref<100000x128xf32, #tpu.memory_space<hbm>>
      tpu.wait_indirect_dma semaphore(%arg17 : memref<!tpu.dma_semaphore, #tpu.memory_space<semaphore_mem>>) src(%dma_wait3A_138 : memref<100000x128xf32, #tpu.memory_space<hbm>>) dst(%arg7 : memref<64x128xf32, #tpu.memory_space<vmem>>)
      %mul3A_139 = arith.constant 64 : i32
      %mul3A_140 = arith.muli %add3A_132, %mul3A_139 : i32
      %add3A_141 = arith.addi %mul3A_2, %mul3A_140 : i32
      %dma_start3A_142 = arith.constant 0 : i32
      %dma_start3A_143 = tpu.memref_slice %arg4[%add3A_141, %dma_start3A_142] : memref<204800x128xf32, #tpu.memory_space<hbm>> -> memref<64x128xf32, #tpu.memory_space<hbm>>
      %dma_start3A_144 = arith.constant 0 : i32
      %dma_start3A_145 = tpu.memref_slice %arg4[%add3A_141, %dma_start3A_144] : memref<204800x128xf32, #tpu.memory_space<hbm>> -> memref<64x128xf32, #tpu.memory_space<hbm>>
      tpu.enqueue_dma source(%arg7 : memref<64x128xf32, #tpu.memory_space<vmem>>) target(%dma_start3A_145 : memref<64x128xf32, #tpu.memory_space<hbm>>) target_semaphore(%arg27 : memref<!tpu.dma_semaphore, #tpu.memory_space<semaphore_mem>>)
      %add3A_146 = arith.constant 6 : i32
      %add3A_147 = arith.addi %add3A_132, %add3A_146 : i32
      %lt3A_148 = arith.constant 100 : i32
      %lt3A_149 = arith.cmpi slt, %add3A_147, %lt3A_148 : i32
      %convert_element_type3A_150 = arith.extui %lt3A_149 : i1 to i32
      %cond3A_151 = arith.constant 0 : i32
      %cond3A_152 = arith.cmpi ne, %convert_element_type3A_150, %cond3A_151 : i32
      scf.if %cond3A_152 {
        %ge3A = arith.constant 10 : i32
        %ge3A_329 = arith.cmpi sge, %add3A_147, %ge3A : i32
        %convert_element_type3A_330 = arith.extui %ge3A_329 : i1 to i32
        %cond3A_331 = arith.constant 0 : i32
        %cond3A_332 = arith.cmpi ne, %convert_element_type3A_330, %cond3A_331 : i32
        scf.if %cond3A_332 {
          %sub3A = arith.constant 10 : i32
          %sub3A_339 = arith.subi %add3A_147, %sub3A : i32
          %mul3A_340 = arith.constant 64 : i32
          %mul3A_341 = arith.muli %sub3A_339, %mul3A_340 : i32
          %add3A_342 = arith.addi %mul3A_2, %mul3A_341 : i32
          %dma_wait3A_343 = arith.constant 0 : i32
          %dma_wait3A_344 = tpu.memref_slice %arg4[%add3A_342, %dma_wait3A_343] : memref<204800x128xf32, #tpu.memory_space<hbm>> -> memref<64x128xf32, #tpu.memory_space<hbm>>
          %dma_wait3A_345 = arith.constant 0 : i32
          %dma_wait3A_346 = tpu.memref_slice %arg4[%add3A_342, %dma_wait3A_345] : memref<204800x128xf32, #tpu.memory_space<hbm>> -> memref<64x128xf32, #tpu.memory_space<hbm>>
          tpu.wait_dma2 semaphore(%arg33 : memref<!tpu.dma_semaphore, #tpu.memory_space<semaphore_mem>>) src(%arg13 : memref<64x128xf32, #tpu.memory_space<vmem>>) dst(%dma_wait3A_346 : memref<64x128xf32, #tpu.memory_space<hbm>>)
        } else {
        }
        %dma_start3A_333 = arith.constant 0 : i32
        %dma_start3A_334 = tpu.memref_slice %arg5[%add3A_147, %dma_start3A_333] : memref<100x64xi32, #tpu.memory_space<vmem>> -> memref<1x64xi32, #tpu.memory_space<vmem>>
        %dma_start3A_335 = tpu.memref_squeeze %dma_start3A_334 : memref<1x64xi32, #tpu.memory_space<vmem>> -> memref<64xi32, #tpu.memory_space<vmem>>
        %dma_start3A_336 = arith.constant 0 : i32
        %dma_start3A_337 = arith.constant 0 : i32
        %dma_start3A_338 = tpu.memref_slice %arg3[%dma_start3A_336, %dma_start3A_337] : memref<100000x128xf32, #tpu.memory_space<hbm>> -> memref<100000x128xf32, #tpu.memory_space<hbm>>
        tpu.enqueue_indirect_dma source(%dma_start3A_338 : memref<100000x128xf32, #tpu.memory_space<hbm>>) target(%arg13 : memref<64x128xf32, #tpu.memory_space<vmem>>) offsets(%dma_start3A_335 : memref<64xi32, #tpu.memory_space<vmem>>) semaphore(%arg23 : memref<!tpu.dma_semaphore, #tpu.memory_space<semaphore_mem>>)
      } else {
      }
      %add3A_153 = arith.constant 2 : i32
      %add3A_154 = arith.addi %add3A_111, %add3A_153 : i32
      %dma_wait3A_155 = arith.constant 0 : i32
      %dma_wait3A_156 = tpu.memref_slice %arg5[%add3A_154, %dma_wait3A_155] : memref<100x64xi32, #tpu.memory_space<vmem>> -> memref<1x64xi32, #tpu.memory_space<vmem>>
      %dma_wait3A_157 = tpu.memref_squeeze %dma_wait3A_156 : memref<1x64xi32, #tpu.memory_space<vmem>> -> memref<64xi32, #tpu.memory_space<vmem>>
      %dma_wait3A_158 = arith.constant 0 : i32
      %dma_wait3A_159 = arith.constant 0 : i32
      %dma_wait3A_160 = tpu.memref_slice %arg3[%dma_wait3A_158, %dma_wait3A_159] : memref<100000x128xf32, #tpu.memory_space<hbm>> -> memref<100000x128xf32, #tpu.memory_space<hbm>>
      tpu.wait_indirect_dma semaphore(%arg18 : memref<!tpu.dma_semaphore, #tpu.memory_space<semaphore_mem>>) src(%dma_wait3A_160 : memref<100000x128xf32, #tpu.memory_space<hbm>>) dst(%arg8 : memref<64x128xf32, #tpu.memory_space<vmem>>)
      %mul3A_161 = arith.constant 64 : i32
      %mul3A_162 = arith.muli %add3A_154, %mul3A_161 : i32
      %add3A_163 = arith.addi %mul3A_2, %mul3A_162 : i32
      %dma_start3A_164 = arith.constant 0 : i32
      %dma_start3A_165 = tpu.memref_slice %arg4[%add3A_163, %dma_start3A_164] : memref<204800x128xf32, #tpu.memory_space<hbm>> -> memref<64x128xf32, #tpu.memory_space<hbm>>
      %dma_start3A_166 = arith.constant 0 : i32
      %dma_start3A_167 = tpu.memref_slice %arg4[%add3A_163, %dma_start3A_166] : memref<204800x128xf32, #tpu.memory_space<hbm>> -> memref<64x128xf32, #tpu.memory_space<hbm>>
      tpu.enqueue_dma source(%arg8 : memref<64x128xf32, #tpu.memory_space<vmem>>) target(%dma_start3A_167 : memref<64x128xf32, #tpu.memory_space<hbm>>) target_semaphore(%arg28 : memref<!tpu.dma_semaphore, #tpu.memory_space<semaphore_mem>>)
      %add3A_168 = arith.constant 6 : i32
      %add3A_169 = arith.addi %add3A_154, %add3A_168 : i32
      %lt3A_170 = arith.constant 100 : i32
      %lt3A_171 = arith.cmpi slt, %add3A_169, %lt3A_170 : i32
      %convert_element_type3A_172 = arith.extui %lt3A_171 : i1 to i32
      %cond3A_173 = arith.constant 0 : i32
      %cond3A_174 = arith.cmpi ne, %convert_element_type3A_172, %cond3A_173 : i32
      scf.if %cond3A_174 {
        %ge3A = arith.constant 10 : i32
        %ge3A_329 = arith.cmpi sge, %add3A_169, %ge3A : i32
        %convert_element_type3A_330 = arith.extui %ge3A_329 : i1 to i32
        %cond3A_331 = arith.constant 0 : i32
        %cond3A_332 = arith.cmpi ne, %convert_element_type3A_330, %cond3A_331 : i32
        scf.if %cond3A_332 {
          %sub3A = arith.constant 10 : i32
          %sub3A_339 = arith.subi %add3A_169, %sub3A : i32
          %mul3A_340 = arith.constant 64 : i32
          %mul3A_341 = arith.muli %sub3A_339, %mul3A_340 : i32
          %add3A_342 = arith.addi %mul3A_2, %mul3A_341 : i32
          %dma_wait3A_343 = arith.constant 0 : i32
          %dma_wait3A_344 = tpu.memref_slice %arg4[%add3A_342, %dma_wait3A_343] : memref<204800x128xf32, #tpu.memory_space<hbm>> -> memref<64x128xf32, #tpu.memory_space<hbm>>
          %dma_wait3A_345 = arith.constant 0 : i32
          %dma_wait3A_346 = tpu.memref_slice %arg4[%add3A_342, %dma_wait3A_345] : memref<204800x128xf32, #tpu.memory_space<hbm>> -> memref<64x128xf32, #tpu.memory_space<hbm>>
          tpu.wait_dma2 semaphore(%arg34 : memref<!tpu.dma_semaphore, #tpu.memory_space<semaphore_mem>>) src(%arg14 : memref<64x128xf32, #tpu.memory_space<vmem>>) dst(%dma_wait3A_346 : memref<64x128xf32, #tpu.memory_space<hbm>>)
        } else {
        }
        %dma_start3A_333 = arith.constant 0 : i32
        %dma_start3A_334 = tpu.memref_slice %arg5[%add3A_169, %dma_start3A_333] : memref<100x64xi32, #tpu.memory_space<vmem>> -> memref<1x64xi32, #tpu.memory_space<vmem>>
        %dma_start3A_335 = tpu.memref_squeeze %dma_start3A_334 : memref<1x64xi32, #tpu.memory_space<vmem>> -> memref<64xi32, #tpu.memory_space<vmem>>
        %dma_start3A_336 = arith.constant 0 : i32
        %dma_start3A_337 = arith.constant 0 : i32
        %dma_start3A_338 = tpu.memref_slice %arg3[%dma_start3A_336, %dma_start3A_337] : memref<100000x128xf32, #tpu.memory_space<hbm>> -> memref<100000x128xf32, #tpu.memory_space<hbm>>
        tpu.enqueue_indirect_dma source(%dma_start3A_338 : memref<100000x128xf32, #tpu.memory_space<hbm>>) target(%arg14 : memref<64x128xf32, #tpu.memory_space<vmem>>) offsets(%dma_start3A_335 : memref<64xi32, #tpu.memory_space<vmem>>) semaphore(%arg24 : memref<!tpu.dma_semaphore, #tpu.memory_space<semaphore_mem>>)
      } else {
      }
      %add3A_175 = arith.constant 3 : i32
      %add3A_176 = arith.addi %add3A_111, %add3A_175 : i32
      %dma_wait3A_177 = arith.constant 0 : i32
      %dma_wait3A_178 = tpu.memref_slice %arg5[%add3A_176, %dma_wait3A_177] : memref<100x64xi32, #tpu.memory_space<vmem>> -> memref<1x64xi32, #tpu.memory_space<vmem>>
      %dma_wait3A_179 = tpu.memref_squeeze %dma_wait3A_178 : memref<1x64xi32, #tpu.memory_space<vmem>> -> memref<64xi32, #tpu.memory_space<vmem>>
      %dma_wait3A_180 = arith.constant 0 : i32
      %dma_wait3A_181 = arith.constant 0 : i32
      %dma_wait3A_182 = tpu.memref_slice %arg3[%dma_wait3A_180, %dma_wait3A_181] : memref<100000x128xf32, #tpu.memory_space<hbm>> -> memref<100000x128xf32, #tpu.memory_space<hbm>>
      tpu.wait_indirect_dma semaphore(%arg19 : memref<!tpu.dma_semaphore, #tpu.memory_space<semaphore_mem>>) src(%dma_wait3A_182 : memref<100000x128xf32, #tpu.memory_space<hbm>>) dst(%arg9 : memref<64x128xf32, #tpu.memory_space<vmem>>)
      %mul3A_183 = arith.constant 64 : i32
      %mul3A_184 = arith.muli %add3A_176, %mul3A_183 : i32
      %add3A_185 = arith.addi %mul3A_2, %mul3A_184 : i32
      %dma_start3A_186 = arith.constant 0 : i32
      %dma_start3A_187 = tpu.memref_slice %arg4[%add3A_185, %dma_start3A_186] : memref<204800x128xf32, #tpu.memory_space<hbm>> -> memref<64x128xf32, #tpu.memory_space<hbm>>
      %dma_start3A_188 = arith.constant 0 : i32
      %dma_start3A_189 = tpu.memref_slice %arg4[%add3A_185, %dma_start3A_188] : memref<204800x128xf32, #tpu.memory_space<hbm>> -> memref<64x128xf32, #tpu.memory_space<hbm>>
      tpu.enqueue_dma source(%arg9 : memref<64x128xf32, #tpu.memory_space<vmem>>) target(%dma_start3A_189 : memref<64x128xf32, #tpu.memory_space<hbm>>) target_semaphore(%arg29 : memref<!tpu.dma_semaphore, #tpu.memory_space<semaphore_mem>>)
      %add3A_190 = arith.constant 6 : i32
      %add3A_191 = arith.addi %add3A_176, %add3A_190 : i32
      %lt3A_192 = arith.constant 100 : i32
      %lt3A_193 = arith.cmpi slt, %add3A_191, %lt3A_192 : i32
      %convert_element_type3A_194 = arith.extui %lt3A_193 : i1 to i32
      %cond3A_195 = arith.constant 0 : i32
      %cond3A_196 = arith.cmpi ne, %convert_element_type3A_194, %cond3A_195 : i32
      scf.if %cond3A_196 {
        %ge3A = arith.constant 10 : i32
        %ge3A_329 = arith.cmpi sge, %add3A_191, %ge3A : i32
        %convert_element_type3A_330 = arith.extui %ge3A_329 : i1 to i32
        %cond3A_331 = arith.constant 0 : i32
        %cond3A_332 = arith.cmpi ne, %convert_element_type3A_330, %cond3A_331 : i32
        scf.if %cond3A_332 {
          %sub3A = arith.constant 10 : i32
          %sub3A_339 = arith.subi %add3A_191, %sub3A : i32
          %mul3A_340 = arith.constant 64 : i32
          %mul3A_341 = arith.muli %sub3A_339, %mul3A_340 : i32
          %add3A_342 = arith.addi %mul3A_2, %mul3A_341 : i32
          %dma_wait3A_343 = arith.constant 0 : i32
          %dma_wait3A_344 = tpu.memref_slice %arg4[%add3A_342, %dma_wait3A_343] : memref<204800x128xf32, #tpu.memory_space<hbm>> -> memref<64x128xf32, #tpu.memory_space<hbm>>
          %dma_wait3A_345 = arith.constant 0 : i32
          %dma_wait3A_346 = tpu.memref_slice %arg4[%add3A_342, %dma_wait3A_345] : memref<204800x128xf32, #tpu.memory_space<hbm>> -> memref<64x128xf32, #tpu.memory_space<hbm>>
          tpu.wait_dma2 semaphore(%arg35 : memref<!tpu.dma_semaphore, #tpu.memory_space<semaphore_mem>>) src(%arg15 : memref<64x128xf32, #tpu.memory_space<vmem>>) dst(%dma_wait3A_346 : memref<64x128xf32, #tpu.memory_space<hbm>>)
        } else {
        }
        %dma_start3A_333 = arith.constant 0 : i32
        %dma_start3A_334 = tpu.memref_slice %arg5[%add3A_191, %dma_start3A_333] : memref<100x64xi32, #tpu.memory_space<vmem>> -> memref<1x64xi32, #tpu.memory_space<vmem>>
        %dma_start3A_335 = tpu.memref_squeeze %dma_start3A_334 : memref<1x64xi32, #tpu.memory_space<vmem>> -> memref<64xi32, #tpu.memory_space<vmem>>
        %dma_start3A_336 = arith.constant 0 : i32
        %dma_start3A_337 = arith.constant 0 : i32
        %dma_start3A_338 = tpu.memref_slice %arg3[%dma_start3A_336, %dma_start3A_337] : memref<100000x128xf32, #tpu.memory_space<hbm>> -> memref<100000x128xf32, #tpu.memory_space<hbm>>
        tpu.enqueue_indirect_dma source(%dma_start3A_338 : memref<100000x128xf32, #tpu.memory_space<hbm>>) target(%arg15 : memref<64x128xf32, #tpu.memory_space<vmem>>) offsets(%dma_start3A_335 : memref<64xi32, #tpu.memory_space<vmem>>) semaphore(%arg25 : memref<!tpu.dma_semaphore, #tpu.memory_space<semaphore_mem>>)
      } else {
      }
      %add3A_197 = arith.constant 4 : i32
      %add3A_198 = arith.addi %add3A_111, %add3A_197 : i32
      %dma_wait3A_199 = arith.constant 0 : i32
      %dma_wait3A_200 = tpu.memref_slice %arg5[%add3A_198, %dma_wait3A_199] : memref<100x64xi32, #tpu.memory_space<vmem>> -> memref<1x64xi32, #tpu.memory_space<vmem>>
      %dma_wait3A_201 = tpu.memref_squeeze %dma_wait3A_200 : memref<1x64xi32, #tpu.memory_space<vmem>> -> memref<64xi32, #tpu.memory_space<vmem>>
      %dma_wait3A_202 = arith.constant 0 : i32
      %dma_wait3A_203 = arith.constant 0 : i32
      %dma_wait3A_204 = tpu.memref_slice %arg3[%dma_wait3A_202, %dma_wait3A_203] : memref<100000x128xf32, #tpu.memory_space<hbm>> -> memref<100000x128xf32, #tpu.memory_space<hbm>>
      tpu.wait_indirect_dma semaphore(%arg20 : memref<!tpu.dma_semaphore, #tpu.memory_space<semaphore_mem>>) src(%dma_wait3A_204 : memref<100000x128xf32, #tpu.memory_space<hbm>>) dst(%arg10 : memref<64x128xf32, #tpu.memory_space<vmem>>)
      %mul3A_205 = arith.constant 64 : i32
      %mul3A_206 = arith.muli %add3A_198, %mul3A_205 : i32
      %add3A_207 = arith.addi %mul3A_2, %mul3A_206 : i32
      %dma_start3A_208 = arith.constant 0 : i32
      %dma_start3A_209 = tpu.memref_slice %arg4[%add3A_207, %dma_start3A_208] : memref<204800x128xf32, #tpu.memory_space<hbm>> -> memref<64x128xf32, #tpu.memory_space<hbm>>
      %dma_start3A_210 = arith.constant 0 : i32
      %dma_start3A_211 = tpu.memref_slice %arg4[%add3A_207, %dma_start3A_210] : memref<204800x128xf32, #tpu.memory_space<hbm>> -> memref<64x128xf32, #tpu.memory_space<hbm>>
      tpu.enqueue_dma source(%arg10 : memref<64x128xf32, #tpu.memory_space<vmem>>) target(%dma_start3A_211 : memref<64x128xf32, #tpu.memory_space<hbm>>) target_semaphore(%arg30 : memref<!tpu.dma_semaphore, #tpu.memory_space<semaphore_mem>>)
      %add3A_212 = arith.constant 6 : i32
      %add3A_213 = arith.addi %add3A_198, %add3A_212 : i32
      %lt3A_214 = arith.constant 100 : i32
      %lt3A_215 = arith.cmpi slt, %add3A_213, %lt3A_214 : i32
      %convert_element_type3A_216 = arith.extui %lt3A_215 : i1 to i32
      %cond3A_217 = arith.constant 0 : i32
      %cond3A_218 = arith.cmpi ne, %convert_element_type3A_216, %cond3A_217 : i32
      scf.if %cond3A_218 {
        %ge3A = arith.constant 10 : i32
        %ge3A_329 = arith.cmpi sge, %add3A_213, %ge3A : i32
        %convert_element_type3A_330 = arith.extui %ge3A_329 : i1 to i32
        %cond3A_331 = arith.constant 0 : i32
        %cond3A_332 = arith.cmpi ne, %convert_element_type3A_330, %cond3A_331 : i32
        scf.if %cond3A_332 {
          %sub3A = arith.constant 10 : i32
          %sub3A_339 = arith.subi %add3A_213, %sub3A : i32
          %mul3A_340 = arith.constant 64 : i32
          %mul3A_341 = arith.muli %sub3A_339, %mul3A_340 : i32
          %add3A_342 = arith.addi %mul3A_2, %mul3A_341 : i32
          %dma_wait3A_343 = arith.constant 0 : i32
          %dma_wait3A_344 = tpu.memref_slice %arg4[%add3A_342, %dma_wait3A_343] : memref<204800x128xf32, #tpu.memory_space<hbm>> -> memref<64x128xf32, #tpu.memory_space<hbm>>
          %dma_wait3A_345 = arith.constant 0 : i32
          %dma_wait3A_346 = tpu.memref_slice %arg4[%add3A_342, %dma_wait3A_345] : memref<204800x128xf32, #tpu.memory_space<hbm>> -> memref<64x128xf32, #tpu.memory_space<hbm>>
          tpu.wait_dma2 semaphore(%arg26 : memref<!tpu.dma_semaphore, #tpu.memory_space<semaphore_mem>>) src(%arg6 : memref<64x128xf32, #tpu.memory_space<vmem>>) dst(%dma_wait3A_346 : memref<64x128xf32, #tpu.memory_space<hbm>>)
        } else {
        }
        %dma_start3A_333 = arith.constant 0 : i32
        %dma_start3A_334 = tpu.memref_slice %arg5[%add3A_213, %dma_start3A_333] : memref<100x64xi32, #tpu.memory_space<vmem>> -> memref<1x64xi32, #tpu.memory_space<vmem>>
        %dma_start3A_335 = tpu.memref_squeeze %dma_start3A_334 : memref<1x64xi32, #tpu.memory_space<vmem>> -> memref<64xi32, #tpu.memory_space<vmem>>
        %dma_start3A_336 = arith.constant 0 : i32
        %dma_start3A_337 = arith.constant 0 : i32
        %dma_start3A_338 = tpu.memref_slice %arg3[%dma_start3A_336, %dma_start3A_337] : memref<100000x128xf32, #tpu.memory_space<hbm>> -> memref<100000x128xf32, #tpu.memory_space<hbm>>
        tpu.enqueue_indirect_dma source(%dma_start3A_338 : memref<100000x128xf32, #tpu.memory_space<hbm>>) target(%arg6 : memref<64x128xf32, #tpu.memory_space<vmem>>) offsets(%dma_start3A_335 : memref<64xi32, #tpu.memory_space<vmem>>) semaphore(%arg16 : memref<!tpu.dma_semaphore, #tpu.memory_space<semaphore_mem>>)
      } else {
      }
      %add3A_219 = arith.constant 5 : i32
      %add3A_220 = arith.addi %add3A_111, %add3A_219 : i32
      %dma_wait3A_221 = arith.constant 0 : i32
      %dma_wait3A_222 = tpu.memref_slice %arg5[%add3A_220, %dma_wait3A_221] : memref<100x64xi32, #tpu.memory_space<vmem>> -> memref<1x64xi32, #tpu.memory_space<vmem>>
      %dma_wait3A_223 = tpu.memref_squeeze %dma_wait3A_222 : memref<1x64xi32, #tpu.memory_space<vmem>> -> memref<64xi32, #tpu.memory_space<vmem>>
      %dma_wait3A_224 = arith.constant 0 : i32
      %dma_wait3A_225 = arith.constant 0 : i32
      %dma_wait3A_226 = tpu.memref_slice %arg3[%dma_wait3A_224, %dma_wait3A_225] : memref<100000x128xf32, #tpu.memory_space<hbm>> -> memref<100000x128xf32, #tpu.memory_space<hbm>>
      tpu.wait_indirect_dma semaphore(%arg21 : memref<!tpu.dma_semaphore, #tpu.memory_space<semaphore_mem>>) src(%dma_wait3A_226 : memref<100000x128xf32, #tpu.memory_space<hbm>>) dst(%arg11 : memref<64x128xf32, #tpu.memory_space<vmem>>)
      %mul3A_227 = arith.constant 64 : i32
      %mul3A_228 = arith.muli %add3A_220, %mul3A_227 : i32
      %add3A_229 = arith.addi %mul3A_2, %mul3A_228 : i32
      %dma_start3A_230 = arith.constant 0 : i32
      %dma_start3A_231 = tpu.memref_slice %arg4[%add3A_229, %dma_start3A_230] : memref<204800x128xf32, #tpu.memory_space<hbm>> -> memref<64x128xf32, #tpu.memory_space<hbm>>
      %dma_start3A_232 = arith.constant 0 : i32
      %dma_start3A_233 = tpu.memref_slice %arg4[%add3A_229, %dma_start3A_232] : memref<204800x128xf32, #tpu.memory_space<hbm>> -> memref<64x128xf32, #tpu.memory_space<hbm>>
      tpu.enqueue_dma source(%arg11 : memref<64x128xf32, #tpu.memory_space<vmem>>) target(%dma_start3A_233 : memref<64x128xf32, #tpu.memory_space<hbm>>) target_semaphore(%arg31 : memref<!tpu.dma_semaphore, #tpu.memory_space<semaphore_mem>>)
      %add3A_234 = arith.constant 6 : i32
      %add3A_235 = arith.addi %add3A_220, %add3A_234 : i32
      %lt3A_236 = arith.constant 100 : i32
      %lt3A_237 = arith.cmpi slt, %add3A_235, %lt3A_236 : i32
      %convert_element_type3A_238 = arith.extui %lt3A_237 : i1 to i32
      %cond3A_239 = arith.constant 0 : i32
      %cond3A_240 = arith.cmpi ne, %convert_element_type3A_238, %cond3A_239 : i32
      scf.if %cond3A_240 {
        %ge3A = arith.constant 10 : i32
        %ge3A_329 = arith.cmpi sge, %add3A_235, %ge3A : i32
        %convert_element_type3A_330 = arith.extui %ge3A_329 : i1 to i32
        %cond3A_331 = arith.constant 0 : i32
        %cond3A_332 = arith.cmpi ne, %convert_element_type3A_330, %cond3A_331 : i32
        scf.if %cond3A_332 {
          %sub3A = arith.constant 10 : i32
          %sub3A_339 = arith.subi %add3A_235, %sub3A : i32
          %mul3A_340 = arith.constant 64 : i32
          %mul3A_341 = arith.muli %sub3A_339, %mul3A_340 : i32
          %add3A_342 = arith.addi %mul3A_2, %mul3A_341 : i32
          %dma_wait3A_343 = arith.constant 0 : i32
          %dma_wait3A_344 = tpu.memref_slice %arg4[%add3A_342, %dma_wait3A_343] : memref<204800x128xf32, #tpu.memory_space<hbm>> -> memref<64x128xf32, #tpu.memory_space<hbm>>
          %dma_wait3A_345 = arith.constant 0 : i32
          %dma_wait3A_346 = tpu.memref_slice %arg4[%add3A_342, %dma_wait3A_345] : memref<204800x128xf32, #tpu.memory_space<hbm>> -> memref<64x128xf32, #tpu.memory_space<hbm>>
          tpu.wait_dma2 semaphore(%arg27 : memref<!tpu.dma_semaphore, #tpu.memory_space<semaphore_mem>>) src(%arg7 : memref<64x128xf32, #tpu.memory_space<vmem>>) dst(%dma_wait3A_346 : memref<64x128xf32, #tpu.memory_space<hbm>>)
        } else {
        }
        %dma_start3A_333 = arith.constant 0 : i32
        %dma_start3A_334 = tpu.memref_slice %arg5[%add3A_235, %dma_start3A_333] : memref<100x64xi32, #tpu.memory_space<vmem>> -> memref<1x64xi32, #tpu.memory_space<vmem>>
        %dma_start3A_335 = tpu.memref_squeeze %dma_start3A_334 : memref<1x64xi32, #tpu.memory_space<vmem>> -> memref<64xi32, #tpu.memory_space<vmem>>
        %dma_start3A_336 = arith.constant 0 : i32
        %dma_start3A_337 = arith.constant 0 : i32
        %dma_start3A_338 = tpu.memref_slice %arg3[%dma_start3A_336, %dma_start3A_337] : memref<100000x128xf32, #tpu.memory_space<hbm>> -> memref<100000x128xf32, #tpu.memory_space<hbm>>
        tpu.enqueue_indirect_dma source(%dma_start3A_338 : memref<100000x128xf32, #tpu.memory_space<hbm>>) target(%arg7 : memref<64x128xf32, #tpu.memory_space<vmem>>) offsets(%dma_start3A_335 : memref<64xi32, #tpu.memory_space<vmem>>) semaphore(%arg17 : memref<!tpu.dma_semaphore, #tpu.memory_space<semaphore_mem>>)
      } else {
      }
      %add3A_241 = arith.constant 6 : i32
      %add3A_242 = arith.addi %add3A_111, %add3A_241 : i32
      %dma_wait3A_243 = arith.constant 0 : i32
      %dma_wait3A_244 = tpu.memref_slice %arg5[%add3A_242, %dma_wait3A_243] : memref<100x64xi32, #tpu.memory_space<vmem>> -> memref<1x64xi32, #tpu.memory_space<vmem>>
      %dma_wait3A_245 = tpu.memref_squeeze %dma_wait3A_244 : memref<1x64xi32, #tpu.memory_space<vmem>> -> memref<64xi32, #tpu.memory_space<vmem>>
      %dma_wait3A_246 = arith.constant 0 : i32
      %dma_wait3A_247 = arith.constant 0 : i32
      %dma_wait3A_248 = tpu.memref_slice %arg3[%dma_wait3A_246, %dma_wait3A_247] : memref<100000x128xf32, #tpu.memory_space<hbm>> -> memref<100000x128xf32, #tpu.memory_space<hbm>>
      tpu.wait_indirect_dma semaphore(%arg22 : memref<!tpu.dma_semaphore, #tpu.memory_space<semaphore_mem>>) src(%dma_wait3A_248 : memref<100000x128xf32, #tpu.memory_space<hbm>>) dst(%arg12 : memref<64x128xf32, #tpu.memory_space<vmem>>)
      %mul3A_249 = arith.constant 64 : i32
      %mul3A_250 = arith.muli %add3A_242, %mul3A_249 : i32
      %add3A_251 = arith.addi %mul3A_2, %mul3A_250 : i32
      %dma_start3A_252 = arith.constant 0 : i32
      %dma_start3A_253 = tpu.memref_slice %arg4[%add3A_251, %dma_start3A_252] : memref<204800x128xf32, #tpu.memory_space<hbm>> -> memref<64x128xf32, #tpu.memory_space<hbm>>
      %dma_start3A_254 = arith.constant 0 : i32
      %dma_start3A_255 = tpu.memref_slice %arg4[%add3A_251, %dma_start3A_254] : memref<204800x128xf32, #tpu.memory_space<hbm>> -> memref<64x128xf32, #tpu.memory_space<hbm>>
      tpu.enqueue_dma source(%arg12 : memref<64x128xf32, #tpu.memory_space<vmem>>) target(%dma_start3A_255 : memref<64x128xf32, #tpu.memory_space<hbm>>) target_semaphore(%arg32 : memref<!tpu.dma_semaphore, #tpu.memory_space<semaphore_mem>>)
      %add3A_256 = arith.constant 6 : i32
      %add3A_257 = arith.addi %add3A_242, %add3A_256 : i32
      %lt3A_258 = arith.constant 100 : i32
      %lt3A_259 = arith.cmpi slt, %add3A_257, %lt3A_258 : i32
      %convert_element_type3A_260 = arith.extui %lt3A_259 : i1 to i32
      %cond3A_261 = arith.constant 0 : i32
      %cond3A_262 = arith.cmpi ne, %convert_element_type3A_260, %cond3A_261 : i32
      scf.if %cond3A_262 {
        %ge3A = arith.constant 10 : i32
        %ge3A_329 = arith.cmpi sge, %add3A_257, %ge3A : i32
        %convert_element_type3A_330 = arith.extui %ge3A_329 : i1 to i32
        %cond3A_331 = arith.constant 0 : i32
        %cond3A_332 = arith.cmpi ne, %convert_element_type3A_330, %cond3A_331 : i32
        scf.if %cond3A_332 {
          %sub3A = arith.constant 10 : i32
          %sub3A_339 = arith.subi %add3A_257, %sub3A : i32
          %mul3A_340 = arith.constant 64 : i32
          %mul3A_341 = arith.muli %sub3A_339, %mul3A_340 : i32
          %add3A_342 = arith.addi %mul3A_2, %mul3A_341 : i32
          %dma_wait3A_343 = arith.constant 0 : i32
          %dma_wait3A_344 = tpu.memref_slice %arg4[%add3A_342, %dma_wait3A_343] : memref<204800x128xf32, #tpu.memory_space<hbm>> -> memref<64x128xf32, #tpu.memory_space<hbm>>
          %dma_wait3A_345 = arith.constant 0 : i32
          %dma_wait3A_346 = tpu.memref_slice %arg4[%add3A_342, %dma_wait3A_345] : memref<204800x128xf32, #tpu.memory_space<hbm>> -> memref<64x128xf32, #tpu.memory_space<hbm>>
          tpu.wait_dma2 semaphore(%arg28 : memref<!tpu.dma_semaphore, #tpu.memory_space<semaphore_mem>>) src(%arg8 : memref<64x128xf32, #tpu.memory_space<vmem>>) dst(%dma_wait3A_346 : memref<64x128xf32, #tpu.memory_space<hbm>>)
        } else {
        }
        %dma_start3A_333 = arith.constant 0 : i32
        %dma_start3A_334 = tpu.memref_slice %arg5[%add3A_257, %dma_start3A_333] : memref<100x64xi32, #tpu.memory_space<vmem>> -> memref<1x64xi32, #tpu.memory_space<vmem>>
        %dma_start3A_335 = tpu.memref_squeeze %dma_start3A_334 : memref<1x64xi32, #tpu.memory_space<vmem>> -> memref<64xi32, #tpu.memory_space<vmem>>
        %dma_start3A_336 = arith.constant 0 : i32
        %dma_start3A_337 = arith.constant 0 : i32
        %dma_start3A_338 = tpu.memref_slice %arg3[%dma_start3A_336, %dma_start3A_337] : memref<100000x128xf32, #tpu.memory_space<hbm>> -> memref<100000x128xf32, #tpu.memory_space<hbm>>
        tpu.enqueue_indirect_dma source(%dma_start3A_338 : memref<100000x128xf32, #tpu.memory_space<hbm>>) target(%arg8 : memref<64x128xf32, #tpu.memory_space<vmem>>) offsets(%dma_start3A_335 : memref<64xi32, #tpu.memory_space<vmem>>) semaphore(%arg18 : memref<!tpu.dma_semaphore, #tpu.memory_space<semaphore_mem>>)
      } else {
      }
      %add3A_263 = arith.constant 7 : i32
      %add3A_264 = arith.addi %add3A_111, %add3A_263 : i32
      %dma_wait3A_265 = arith.constant 0 : i32
      %dma_wait3A_266 = tpu.memref_slice %arg5[%add3A_264, %dma_wait3A_265] : memref<100x64xi32, #tpu.memory_space<vmem>> -> memref<1x64xi32, #tpu.memory_space<vmem>>
      %dma_wait3A_267 = tpu.memref_squeeze %dma_wait3A_266 : memref<1x64xi32, #tpu.memory_space<vmem>> -> memref<64xi32, #tpu.memory_space<vmem>>
      %dma_wait3A_268 = arith.constant 0 : i32
      %dma_wait3A_269 = arith.constant 0 : i32
      %dma_wait3A_270 = tpu.memref_slice %arg3[%dma_wait3A_268, %dma_wait3A_269] : memref<100000x128xf32, #tpu.memory_space<hbm>> -> memref<100000x128xf32, #tpu.memory_space<hbm>>
      tpu.wait_indirect_dma semaphore(%arg23 : memref<!tpu.dma_semaphore, #tpu.memory_space<semaphore_mem>>) src(%dma_wait3A_270 : memref<100000x128xf32, #tpu.memory_space<hbm>>) dst(%arg13 : memref<64x128xf32, #tpu.memory_space<vmem>>)
      %mul3A_271 = arith.constant 64 : i32
      %mul3A_272 = arith.muli %add3A_264, %mul3A_271 : i32
      %add3A_273 = arith.addi %mul3A_2, %mul3A_272 : i32
      %dma_start3A_274 = arith.constant 0 : i32
      %dma_start3A_275 = tpu.memref_slice %arg4[%add3A_273, %dma_start3A_274] : memref<204800x128xf32, #tpu.memory_space<hbm>> -> memref<64x128xf32, #tpu.memory_space<hbm>>
      %dma_start3A_276 = arith.constant 0 : i32
      %dma_start3A_277 = tpu.memref_slice %arg4[%add3A_273, %dma_start3A_276] : memref<204800x128xf32, #tpu.memory_space<hbm>> -> memref<64x128xf32, #tpu.memory_space<hbm>>
      tpu.enqueue_dma source(%arg13 : memref<64x128xf32, #tpu.memory_space<vmem>>) target(%dma_start3A_277 : memref<64x128xf32, #tpu.memory_space<hbm>>) target_semaphore(%arg33 : memref<!tpu.dma_semaphore, #tpu.memory_space<semaphore_mem>>)
      %add3A_278 = arith.constant 6 : i32
      %add3A_279 = arith.addi %add3A_264, %add3A_278 : i32
      %lt3A_280 = arith.constant 100 : i32
      %lt3A_281 = arith.cmpi slt, %add3A_279, %lt3A_280 : i32
      %convert_element_type3A_282 = arith.extui %lt3A_281 : i1 to i32
      %cond3A_283 = arith.constant 0 : i32
      %cond3A_284 = arith.cmpi ne, %convert_element_type3A_282, %cond3A_283 : i32
      scf.if %cond3A_284 {
        %ge3A = arith.constant 10 : i32
        %ge3A_329 = arith.cmpi sge, %add3A_279, %ge3A : i32
        %convert_element_type3A_330 = arith.extui %ge3A_329 : i1 to i32
        %cond3A_331 = arith.constant 0 : i32
        %cond3A_332 = arith.cmpi ne, %convert_element_type3A_330, %cond3A_331 : i32
        scf.if %cond3A_332 {
          %sub3A = arith.constant 10 : i32
          %sub3A_339 = arith.subi %add3A_279, %sub3A : i32
          %mul3A_340 = arith.constant 64 : i32
          %mul3A_341 = arith.muli %sub3A_339, %mul3A_340 : i32
          %add3A_342 = arith.addi %mul3A_2, %mul3A_341 : i32
          %dma_wait3A_343 = arith.constant 0 : i32
          %dma_wait3A_344 = tpu.memref_slice %arg4[%add3A_342, %dma_wait3A_343] : memref<204800x128xf32, #tpu.memory_space<hbm>> -> memref<64x128xf32, #tpu.memory_space<hbm>>
          %dma_wait3A_345 = arith.constant 0 : i32
          %dma_wait3A_346 = tpu.memref_slice %arg4[%add3A_342, %dma_wait3A_345] : memref<204800x128xf32, #tpu.memory_space<hbm>> -> memref<64x128xf32, #tpu.memory_space<hbm>>
          tpu.wait_dma2 semaphore(%arg29 : memref<!tpu.dma_semaphore, #tpu.memory_space<semaphore_mem>>) src(%arg9 : memref<64x128xf32, #tpu.memory_space<vmem>>) dst(%dma_wait3A_346 : memref<64x128xf32, #tpu.memory_space<hbm>>)
        } else {
        }
        %dma_start3A_333 = arith.constant 0 : i32
        %dma_start3A_334 = tpu.memref_slice %arg5[%add3A_279, %dma_start3A_333] : memref<100x64xi32, #tpu.memory_space<vmem>> -> memref<1x64xi32, #tpu.memory_space<vmem>>
        %dma_start3A_335 = tpu.memref_squeeze %dma_start3A_334 : memref<1x64xi32, #tpu.memory_space<vmem>> -> memref<64xi32, #tpu.memory_space<vmem>>
        %dma_start3A_336 = arith.constant 0 : i32
        %dma_start3A_337 = arith.constant 0 : i32
        %dma_start3A_338 = tpu.memref_slice %arg3[%dma_start3A_336, %dma_start3A_337] : memref<100000x128xf32, #tpu.memory_space<hbm>> -> memref<100000x128xf32, #tpu.memory_space<hbm>>
        tpu.enqueue_indirect_dma source(%dma_start3A_338 : memref<100000x128xf32, #tpu.memory_space<hbm>>) target(%arg9 : memref<64x128xf32, #tpu.memory_space<vmem>>) offsets(%dma_start3A_335 : memref<64xi32, #tpu.memory_space<vmem>>) semaphore(%arg19 : memref<!tpu.dma_semaphore, #tpu.memory_space<semaphore_mem>>)
      } else {
      }
      %add3A_285 = arith.constant 8 : i32
      %add3A_286 = arith.addi %add3A_111, %add3A_285 : i32
      %dma_wait3A_287 = arith.constant 0 : i32
      %dma_wait3A_288 = tpu.memref_slice %arg5[%add3A_286, %dma_wait3A_287] : memref<100x64xi32, #tpu.memory_space<vmem>> -> memref<1x64xi32, #tpu.memory_space<vmem>>
      %dma_wait3A_289 = tpu.memref_squeeze %dma_wait3A_288 : memref<1x64xi32, #tpu.memory_space<vmem>> -> memref<64xi32, #tpu.memory_space<vmem>>
      %dma_wait3A_290 = arith.constant 0 : i32
      %dma_wait3A_291 = arith.constant 0 : i32
      %dma_wait3A_292 = tpu.memref_slice %arg3[%dma_wait3A_290, %dma_wait3A_291] : memref<100000x128xf32, #tpu.memory_space<hbm>> -> memref<100000x128xf32, #tpu.memory_space<hbm>>
      tpu.wait_indirect_dma semaphore(%arg24 : memref<!tpu.dma_semaphore, #tpu.memory_space<semaphore_mem>>) src(%dma_wait3A_292 : memref<100000x128xf32, #tpu.memory_space<hbm>>) dst(%arg14 : memref<64x128xf32, #tpu.memory_space<vmem>>)
      %mul3A_293 = arith.constant 64 : i32
      %mul3A_294 = arith.muli %add3A_286, %mul3A_293 : i32
      %add3A_295 = arith.addi %mul3A_2, %mul3A_294 : i32
      %dma_start3A_296 = arith.constant 0 : i32
      %dma_start3A_297 = tpu.memref_slice %arg4[%add3A_295, %dma_start3A_296] : memref<204800x128xf32, #tpu.memory_space<hbm>> -> memref<64x128xf32, #tpu.memory_space<hbm>>
      %dma_start3A_298 = arith.constant 0 : i32
      %dma_start3A_299 = tpu.memref_slice %arg4[%add3A_295, %dma_start3A_298] : memref<204800x128xf32, #tpu.memory_space<hbm>> -> memref<64x128xf32, #tpu.memory_space<hbm>>
      tpu.enqueue_dma source(%arg14 : memref<64x128xf32, #tpu.memory_space<vmem>>) target(%dma_start3A_299 : memref<64x128xf32, #tpu.memory_space<hbm>>) target_semaphore(%arg34 : memref<!tpu.dma_semaphore, #tpu.memory_space<semaphore_mem>>)
      %add3A_300 = arith.constant 6 : i32
      %add3A_301 = arith.addi %add3A_286, %add3A_300 : i32
      %lt3A_302 = arith.constant 100 : i32
      %lt3A_303 = arith.cmpi slt, %add3A_301, %lt3A_302 : i32
      %convert_element_type3A_304 = arith.extui %lt3A_303 : i1 to i32
      %cond3A_305 = arith.constant 0 : i32
      %cond3A_306 = arith.cmpi ne, %convert_element_type3A_304, %cond3A_305 : i32
      scf.if %cond3A_306 {
        %ge3A = arith.constant 10 : i32
        %ge3A_329 = arith.cmpi sge, %add3A_301, %ge3A : i32
        %convert_element_type3A_330 = arith.extui %ge3A_329 : i1 to i32
        %cond3A_331 = arith.constant 0 : i32
        %cond3A_332 = arith.cmpi ne, %convert_element_type3A_330, %cond3A_331 : i32
        scf.if %cond3A_332 {
          %sub3A = arith.constant 10 : i32
          %sub3A_339 = arith.subi %add3A_301, %sub3A : i32
          %mul3A_340 = arith.constant 64 : i32
          %mul3A_341 = arith.muli %sub3A_339, %mul3A_340 : i32
          %add3A_342 = arith.addi %mul3A_2, %mul3A_341 : i32
          %dma_wait3A_343 = arith.constant 0 : i32
          %dma_wait3A_344 = tpu.memref_slice %arg4[%add3A_342, %dma_wait3A_343] : memref<204800x128xf32, #tpu.memory_space<hbm>> -> memref<64x128xf32, #tpu.memory_space<hbm>>
          %dma_wait3A_345 = arith.constant 0 : i32
          %dma_wait3A_346 = tpu.memref_slice %arg4[%add3A_342, %dma_wait3A_345] : memref<204800x128xf32, #tpu.memory_space<hbm>> -> memref<64x128xf32, #tpu.memory_space<hbm>>
          tpu.wait_dma2 semaphore(%arg30 : memref<!tpu.dma_semaphore, #tpu.memory_space<semaphore_mem>>) src(%arg10 : memref<64x128xf32, #tpu.memory_space<vmem>>) dst(%dma_wait3A_346 : memref<64x128xf32, #tpu.memory_space<hbm>>)
        } else {
        }
        %dma_start3A_333 = arith.constant 0 : i32
        %dma_start3A_334 = tpu.memref_slice %arg5[%add3A_301, %dma_start3A_333] : memref<100x64xi32, #tpu.memory_space<vmem>> -> memref<1x64xi32, #tpu.memory_space<vmem>>
        %dma_start3A_335 = tpu.memref_squeeze %dma_start3A_334 : memref<1x64xi32, #tpu.memory_space<vmem>> -> memref<64xi32, #tpu.memory_space<vmem>>
        %dma_start3A_336 = arith.constant 0 : i32
        %dma_start3A_337 = arith.constant 0 : i32
        %dma_start3A_338 = tpu.memref_slice %arg3[%dma_start3A_336, %dma_start3A_337] : memref<100000x128xf32, #tpu.memory_space<hbm>> -> memref<100000x128xf32, #tpu.memory_space<hbm>>
        tpu.enqueue_indirect_dma source(%dma_start3A_338 : memref<100000x128xf32, #tpu.memory_space<hbm>>) target(%arg10 : memref<64x128xf32, #tpu.memory_space<vmem>>) offsets(%dma_start3A_335 : memref<64xi32, #tpu.memory_space<vmem>>) semaphore(%arg20 : memref<!tpu.dma_semaphore, #tpu.memory_space<semaphore_mem>>)
      } else {
      }
      %add3A_307 = arith.constant 9 : i32
      %add3A_308 = arith.addi %add3A_111, %add3A_307 : i32
      %dma_wait3A_309 = arith.constant 0 : i32
      %dma_wait3A_310 = tpu.memref_slice %arg5[%add3A_308, %dma_wait3A_309] : memref<100x64xi32, #tpu.memory_space<vmem>> -> memref<1x64xi32, #tpu.memory_space<vmem>>
      %dma_wait3A_311 = tpu.memref_squeeze %dma_wait3A_310 : memref<1x64xi32, #tpu.memory_space<vmem>> -> memref<64xi32, #tpu.memory_space<vmem>>
      %dma_wait3A_312 = arith.constant 0 : i32
      %dma_wait3A_313 = arith.constant 0 : i32
      %dma_wait3A_314 = tpu.memref_slice %arg3[%dma_wait3A_312, %dma_wait3A_313] : memref<100000x128xf32, #tpu.memory_space<hbm>> -> memref<100000x128xf32, #tpu.memory_space<hbm>>
      tpu.wait_indirect_dma semaphore(%arg25 : memref<!tpu.dma_semaphore, #tpu.memory_space<semaphore_mem>>) src(%dma_wait3A_314 : memref<100000x128xf32, #tpu.memory_space<hbm>>) dst(%arg15 : memref<64x128xf32, #tpu.memory_space<vmem>>)
      %mul3A_315 = arith.constant 64 : i32
      %mul3A_316 = arith.muli %add3A_308, %mul3A_315 : i32
      %add3A_317 = arith.addi %mul3A_2, %mul3A_316 : i32
      %dma_start3A_318 = arith.constant 0 : i32
      %dma_start3A_319 = tpu.memref_slice %arg4[%add3A_317, %dma_start3A_318] : memref<204800x128xf32, #tpu.memory_space<hbm>> -> memref<64x128xf32, #tpu.memory_space<hbm>>
      %dma_start3A_320 = arith.constant 0 : i32
      %dma_start3A_321 = tpu.memref_slice %arg4[%add3A_317, %dma_start3A_320] : memref<204800x128xf32, #tpu.memory_space<hbm>> -> memref<64x128xf32, #tpu.memory_space<hbm>>
      tpu.enqueue_dma source(%arg15 : memref<64x128xf32, #tpu.memory_space<vmem>>) target(%dma_start3A_321 : memref<64x128xf32, #tpu.memory_space<hbm>>) target_semaphore(%arg35 : memref<!tpu.dma_semaphore, #tpu.memory_space<semaphore_mem>>)
      %add3A_322 = arith.constant 6 : i32
      %add3A_323 = arith.addi %add3A_308, %add3A_322 : i32
      %lt3A_324 = arith.constant 100 : i32
      %lt3A_325 = arith.cmpi slt, %add3A_323, %lt3A_324 : i32
      %convert_element_type3A_326 = arith.extui %lt3A_325 : i1 to i32
      %cond3A_327 = arith.constant 0 : i32
      %cond3A_328 = arith.cmpi ne, %convert_element_type3A_326, %cond3A_327 : i32
      scf.if %cond3A_328 {
        %ge3A = arith.constant 10 : i32
        %ge3A_329 = arith.cmpi sge, %add3A_323, %ge3A : i32
        %convert_element_type3A_330 = arith.extui %ge3A_329 : i1 to i32
        %cond3A_331 = arith.constant 0 : i32
        %cond3A_332 = arith.cmpi ne, %convert_element_type3A_330, %cond3A_331 : i32
        scf.if %cond3A_332 {
          %sub3A = arith.constant 10 : i32
          %sub3A_339 = arith.subi %add3A_323, %sub3A : i32
          %mul3A_340 = arith.constant 64 : i32
          %mul3A_341 = arith.muli %sub3A_339, %mul3A_340 : i32
          %add3A_342 = arith.addi %mul3A_2, %mul3A_341 : i32
          %dma_wait3A_343 = arith.constant 0 : i32
          %dma_wait3A_344 = tpu.memref_slice %arg4[%add3A_342, %dma_wait3A_343] : memref<204800x128xf32, #tpu.memory_space<hbm>> -> memref<64x128xf32, #tpu.memory_space<hbm>>
          %dma_wait3A_345 = arith.constant 0 : i32
          %dma_wait3A_346 = tpu.memref_slice %arg4[%add3A_342, %dma_wait3A_345] : memref<204800x128xf32, #tpu.memory_space<hbm>> -> memref<64x128xf32, #tpu.memory_space<hbm>>
          tpu.wait_dma2 semaphore(%arg31 : memref<!tpu.dma_semaphore, #tpu.memory_space<semaphore_mem>>) src(%arg11 : memref<64x128xf32, #tpu.memory_space<vmem>>) dst(%dma_wait3A_346 : memref<64x128xf32, #tpu.memory_space<hbm>>)
        } else {
        }
        %dma_start3A_333 = arith.constant 0 : i32
        %dma_start3A_334 = tpu.memref_slice %arg5[%add3A_323, %dma_start3A_333] : memref<100x64xi32, #tpu.memory_space<vmem>> -> memref<1x64xi32, #tpu.memory_space<vmem>>
        %dma_start3A_335 = tpu.memref_squeeze %dma_start3A_334 : memref<1x64xi32, #tpu.memory_space<vmem>> -> memref<64xi32, #tpu.memory_space<vmem>>
        %dma_start3A_336 = arith.constant 0 : i32
        %dma_start3A_337 = arith.constant 0 : i32
        %dma_start3A_338 = tpu.memref_slice %arg3[%dma_start3A_336, %dma_start3A_337] : memref<100000x128xf32, #tpu.memory_space<hbm>> -> memref<100000x128xf32, #tpu.memory_space<hbm>>
        tpu.enqueue_indirect_dma source(%dma_start3A_338 : memref<100000x128xf32, #tpu.memory_space<hbm>>) target(%arg11 : memref<64x128xf32, #tpu.memory_space<vmem>>) offsets(%dma_start3A_335 : memref<64xi32, #tpu.memory_space<vmem>>) semaphore(%arg21 : memref<!tpu.dma_semaphore, #tpu.memory_space<semaphore_mem>>)
      } else {
      }
    }
    %scan3A_47 = arith.constant 10 : i32
    %add3A_48 = arith.constant 5760 : i32
    %add3A_49 = arith.addi %mul3A_2, %add3A_48 : i32
    %dma_wait3A = arith.constant 0 : i32
    %dma_wait3A_50 = tpu.memref_slice %arg4[%add3A_49, %dma_wait3A] : memref<204800x128xf32, #tpu.memory_space<hbm>> -> memref<64x128xf32, #tpu.memory_space<hbm>>
    %dma_wait3A_51 = arith.constant 0 : i32
    %dma_wait3A_52 = tpu.memref_slice %arg4[%add3A_49, %dma_wait3A_51] : memref<204800x128xf32, #tpu.memory_space<hbm>> -> memref<64x128xf32, #tpu.memory_space<hbm>>
    tpu.wait_dma2 semaphore(%arg26 : memref<!tpu.dma_semaphore, #tpu.memory_space<semaphore_mem>>) src(%arg6 : memref<64x128xf32, #tpu.memory_space<vmem>>) dst(%dma_wait3A_52 : memref<64x128xf32, #tpu.memory_space<hbm>>)
    %add3A_53 = arith.constant 5824 : i32
    %add3A_54 = arith.addi %mul3A_2, %add3A_53 : i32
    %dma_wait3A_55 = arith.constant 0 : i32
    %dma_wait3A_56 = tpu.memref_slice %arg4[%add3A_54, %dma_wait3A_55] : memref<204800x128xf32, #tpu.memory_space<hbm>> -> memref<64x128xf32, #tpu.memory_space<hbm>>
    %dma_wait3A_57 = arith.constant 0 : i32
    %dma_wait3A_58 = tpu.memref_slice %arg4[%add3A_54, %dma_wait3A_57] : memref<204800x128xf32, #tpu.memory_space<hbm>> -> memref<64x128xf32, #tpu.memory_space<hbm>>
    tpu.wait_dma2 semaphore(%arg27 : memref<!tpu.dma_semaphore, #tpu.memory_space<semaphore_mem>>) src(%arg7 : memref<64x128xf32, #tpu.memory_space<vmem>>) dst(%dma_wait3A_58 : memref<64x128xf32, #tpu.memory_space<hbm>>)
    %add3A_59 = arith.constant 5888 : i32
    %add3A_60 = arith.addi %mul3A_2, %add3A_59 : i32
    %dma_wait3A_61 = arith.constant 0 : i32
    %dma_wait3A_62 = tpu.memref_slice %arg4[%add3A_60, %dma_wait3A_61] : memref<204800x128xf32, #tpu.memory_space<hbm>> -> memref<64x128xf32, #tpu.memory_space<hbm>>
    %dma_wait3A_63 = arith.constant 0 : i32
    %dma_wait3A_64 = tpu.memref_slice %arg4[%add3A_60, %dma_wait3A_63] : memref<204800x128xf32, #tpu.memory_space<hbm>> -> memref<64x128xf32, #tpu.memory_space<hbm>>
    tpu.wait_dma2 semaphore(%arg28 : memref<!tpu.dma_semaphore, #tpu.memory_space<semaphore_mem>>) src(%arg8 : memref<64x128xf32, #tpu.memory_space<vmem>>) dst(%dma_wait3A_64 : memref<64x128xf32, #tpu.memory_space<hbm>>)
    %add3A_65 = arith.constant 5952 : i32
    %add3A_66 = arith.addi %mul3A_2, %add3A_65 : i32
    %dma_wait3A_67 = arith.constant 0 : i32
    %dma_wait3A_68 = tpu.memref_slice %arg4[%add3A_66, %dma_wait3A_67] : memref<204800x128xf32, #tpu.memory_space<hbm>> -> memref<64x128xf32, #tpu.memory_space<hbm>>
    %dma_wait3A_69 = arith.constant 0 : i32
    %dma_wait3A_70 = tpu.memref_slice %arg4[%add3A_66, %dma_wait3A_69] : memref<204800x128xf32, #tpu.memory_space<hbm>> -> memref<64x128xf32, #tpu.memory_space<hbm>>
    tpu.wait_dma2 semaphore(%arg29 : memref<!tpu.dma_semaphore, #tpu.memory_space<semaphore_mem>>) src(%arg9 : memref<64x128xf32, #tpu.memory_space<vmem>>) dst(%dma_wait3A_70 : memref<64x128xf32, #tpu.memory_space<hbm>>)
    %add3A_71 = arith.constant 6016 : i32
    %add3A_72 = arith.addi %mul3A_2, %add3A_71 : i32
    %dma_wait3A_73 = arith.constant 0 : i32
    %dma_wait3A_74 = tpu.memref_slice %arg4[%add3A_72, %dma_wait3A_73] : memref<204800x128xf32, #tpu.memory_space<hbm>> -> memref<64x128xf32, #tpu.memory_space<hbm>>
    %dma_wait3A_75 = arith.constant 0 : i32
    %dma_wait3A_76 = tpu.memref_slice %arg4[%add3A_72, %dma_wait3A_75] : memref<204800x128xf32, #tpu.memory_space<hbm>> -> memref<64x128xf32, #tpu.memory_space<hbm>>
    tpu.wait_dma2 semaphore(%arg30 : memref<!tpu.dma_semaphore, #tpu.memory_space<semaphore_mem>>) src(%arg10 : memref<64x128xf32, #tpu.memory_space<vmem>>) dst(%dma_wait3A_76 : memref<64x128xf32, #tpu.memory_space<hbm>>)
    %add3A_77 = arith.constant 6080 : i32
    %add3A_78 = arith.addi %mul3A_2, %add3A_77 : i32
    %dma_wait3A_79 = arith.constant 0 : i32
    %dma_wait3A_80 = tpu.memref_slice %arg4[%add3A_78, %dma_wait3A_79] : memref<204800x128xf32, #tpu.memory_space<hbm>> -> memref<64x128xf32, #tpu.memory_space<hbm>>
    %dma_wait3A_81 = arith.constant 0 : i32
    %dma_wait3A_82 = tpu.memref_slice %arg4[%add3A_78, %dma_wait3A_81] : memref<204800x128xf32, #tpu.memory_space<hbm>> -> memref<64x128xf32, #tpu.memory_space<hbm>>
    tpu.wait_dma2 semaphore(%arg31 : memref<!tpu.dma_semaphore, #tpu.memory_space<semaphore_mem>>) src(%arg11 : memref<64x128xf32, #tpu.memory_space<vmem>>) dst(%dma_wait3A_82 : memref<64x128xf32, #tpu.memory_space<hbm>>)
    %add3A_83 = arith.constant 6144 : i32
    %add3A_84 = arith.addi %mul3A_2, %add3A_83 : i32
    %dma_wait3A_85 = arith.constant 0 : i32
    %dma_wait3A_86 = tpu.memref_slice %arg4[%add3A_84, %dma_wait3A_85] : memref<204800x128xf32, #tpu.memory_space<hbm>> -> memref<64x128xf32, #tpu.memory_space<hbm>>
    %dma_wait3A_87 = arith.constant 0 : i32
    %dma_wait3A_88 = tpu.memref_slice %arg4[%add3A_84, %dma_wait3A_87] : memref<204800x128xf32, #tpu.memory_space<hbm>> -> memref<64x128xf32, #tpu.memory_space<hbm>>
    tpu.wait_dma2 semaphore(%arg32 : memref<!tpu.dma_semaphore, #tpu.memory_space<semaphore_mem>>) src(%arg12 : memref<64x128xf32, #tpu.memory_space<vmem>>) dst(%dma_wait3A_88 : memref<64x128xf32, #tpu.memory_space<hbm>>)
    %add3A_89 = arith.constant 6208 : i32
    %add3A_90 = arith.addi %mul3A_2, %add3A_89 : i32
    %dma_wait3A_91 = arith.constant 0 : i32
    %dma_wait3A_92 = tpu.memref_slice %arg4[%add3A_90, %dma_wait3A_91] : memref<204800x128xf32, #tpu.memory_space<hbm>> -> memref<64x128xf32, #tpu.memory_space<hbm>>
    %dma_wait3A_93 = arith.constant 0 : i32
    %dma_wait3A_94 = tpu.memref_slice %arg4[%add3A_90, %dma_wait3A_93] : memref<204800x128xf32, #tpu.memory_space<hbm>> -> memref<64x128xf32, #tpu.memory_space<hbm>>
    tpu.wait_dma2 semaphore(%arg33 : memref<!tpu.dma_semaphore, #tpu.memory_space<semaphore_mem>>) src(%arg13 : memref<64x128xf32, #tpu.memory_space<vmem>>) dst(%dma_wait3A_94 : memref<64x128xf32, #tpu.memory_space<hbm>>)
    %add3A_95 = arith.constant 6272 : i32
    %add3A_96 = arith.addi %mul3A_2, %add3A_95 : i32
    %dma_wait3A_97 = arith.constant 0 : i32
    %dma_wait3A_98 = tpu.memref_slice %arg4[%add3A_96, %dma_wait3A_97] : memref<204800x128xf32, #tpu.memory_space<hbm>> -> memref<64x128xf32, #tpu.memory_space<hbm>>
    %dma_wait3A_99 = arith.constant 0 : i32
    %dma_wait3A_100 = tpu.memref_slice %arg4[%add3A_96, %dma_wait3A_99] : memref<204800x128xf32, #tpu.memory_space<hbm>> -> memref<64x128xf32, #tpu.memory_space<hbm>>
    tpu.wait_dma2 semaphore(%arg34 : memref<!tpu.dma_semaphore, #tpu.memory_space<semaphore_mem>>) src(%arg14 : memref<64x128xf32, #tpu.memory_space<vmem>>) dst(%dma_wait3A_100 : memref<64x128xf32, #tpu.memory_space<hbm>>)
    %add3A_101 = arith.constant 6336 : i32
    %add3A_102 = arith.addi %mul3A_2, %add3A_101 : i32
    %dma_wait3A_103 = arith.constant 0 : i32
    %dma_wait3A_104 = tpu.memref_slice %arg4[%add3A_102, %dma_wait3A_103] : memref<204800x128xf32, #tpu.memory_space<hbm>> -> memref<64x128xf32, #tpu.memory_space<hbm>>
    %dma_wait3A_105 = arith.constant 0 : i32
    %dma_wait3A_106 = tpu.memref_slice %arg4[%add3A_102, %dma_wait3A_105] : memref<204800x128xf32, #tpu.memory_space<hbm>> -> memref<64x128xf32, #tpu.memory_space<hbm>>
    tpu.wait_dma2 semaphore(%arg35 : memref<!tpu.dma_semaphore, #tpu.memory_space<semaphore_mem>>) src(%arg15 : memref<64x128xf32, #tpu.memory_space<vmem>>) dst(%dma_wait3A_106 : memref<64x128xf32, #tpu.memory_space<hbm>>)
    return
  }
}

</mosaic_0001>

<sc_bundles>
// kernel: kernel.3.cloned.1.call-start
scs
__scs_entry_jumppad:
0x0: {  	(pc) =	sbr.rel $0x88, $3  }
0x1: {  	(tag) =	ssettag $0x0;
	lr =	simm.s32 $0x1  }
0x2: {  	[smem:$0x3F9F] =	sst lr;
	_ =	strace $0xD0000000  }
0x3: {  	_ = 	snop  }
0x4: {  	_ = 	snop  }
0x5: {  	_ = 	snop  }
0x6: {  	_ = 	snop  }
0x7: {  	_ = 	snop  }
__scs_overlays_trampoline_lowered:
0x8: {  	[smem:$0x3FAE] =	sst s0  }
0x9: {  	[smem:$0x3FAF] =	sst s1  }
0xa: {  	[smem:$0x3FB0] =	sst s2  }
0xb: {  	[smem:$0x3FB1] =	sst s3  }
0xc: {  	[smem:$0x3FB2] =	sst s4  }
0xd: {  	[smem:$0x3FB3] =	sst s5  }
0xe: {  	[smem:$0x3FB4] =	sst s6  }
0xf: {  	[smem:$0x3FB5] =	sst s7  }
0x10: {  	[smem:$0x3FB6] =	sst s8  }
0x11: {  	[smem:$0x3FB7] =	sst s9;
	s0 =	simm.s32 @!p0 $0x0  }
0x12: {  	s1 =	sld [smem:$0x3F9D];
	s0 =	simm.s32 @p0 $0x1  }
0x13: {  	[smem:$0x3FB8] =	sst s0;
	s0 =	simm.s32 @!p1 $0x0  }
0x14: {  	s2 =	sld [smem:$0x3F9C];
	s0 =	simm.s32 @p1 $0x1  }
0x15: {  	[smem:$0x3FB9] =	sst s0;
	s0 =	simm.s32 @!p2 $0x0  }
0x16: {  	s3 =	sld [smem:$0x3FDB];
	s0 =	simm.s32 @p2 $0x1  }
0x17: {  	s4 =	simm.s32 $0x1BF5;
	[smem:$0x3FBB] =	sst s0  }
0x18: {  	s0 =	sld [smem:$0x3F9E];
	_ =	swait.ge [sflag:s4], $0x0  }
0x19: {  	s7 =	sld [smem:$0x3F9F]  }
0x1a: {  	s8 =	sadd.s32 $0xFFFFE003, lr  }
0x1b: {  	s9 =	sadd.s32 $0xFFFFFEF7, lr;
	s5 =	simm.s32 $0xFFFFFFFF;
	p2 =	slt.u32 s8, $0xFFFFF086  }
0x1c: {  	p1 =	slt.u32 s9, $0xF7A;
	s5 =	simm.s32 @!p2 $0x0  }
0x1d: {  	s5 =	simm.s32 @p1 $0x1;
	p0 =	seq.s32 s7, s2  }
0x1e: {  	s7 =	smul.u32 @!p0 $0xF7A, s2;
	p2 =	seq.s32 @!p0 s5, $0x0  }
0x1f: {  	s9 =	smul.u32 $0xF7A, s1;
	s8 =	simm.s32 @!p0 $0x1BF5;
	p2 =	por !p2, p0  }
0x20: {  	[sflag:s8] =	ssyncset.s32 @!p0 $0xFFFFF086;
	s6 =	sadd.s32 @!p0 s3, s7;
	s7 =	simm.s32 @!p0 $0x108  }
0x21: {  	s3 =	sadd.s32 s3, s9;
	s6 =	sadd.s32 @!p0 $0x88, s6;
	s7 =	simm.s32 @p2 $0x1082  }
0x22: {  	[simem:s7], [sflag:s8] =	dma.local @!p0 [hbm:s6], $0xF7A  }
0x23: {  	s9 =	sor.u32 $0xD0000000, s2;
	s6 =	simm.s32 $0x108;
	_ =	swait.ge @!p0 [sflag:s8], $0x0  }
0x24: {  	s3 =	sadd.s32 $0x88, s3;
	s6 =	simm.s32 @!p1 $0x1082;
	[sflag:s4] =	ssyncset.s32 $0xFFFFF086  }
0x25: {  	[simem:s6], [sflag:s4] =	dma.local [hbm:s3], $0xF7A  }
0x26: {  	[smem:$0x3F9F] =	sst s1;
	(tag) =	ssettag s2;
	_ =	strace s9  }
0x27: {  	s1 =	sld [smem:$0x3FAF]  }
0x28: {  	s2 =	sld [smem:$0x3FB0]  }
0x29: {  	s4 =	sld [smem:$0x3FB2]  }
0x2a: {  	p0 =	seq.s32 s5, $0x0;
	s5 =	sld [smem:$0x3FB3]  }
0x2b: {  	s6 =	sld [smem:$0x3FB4]  }
0x2c: {  	s7 =	sld [smem:$0x3FB5]  }
0x2d: {  	s3 =	simm.s32 $0x108;
	s8 =	sld [smem:$0x3FB6]  }
0x2e: {  	s3 =	simm.s32 @!p0 $0x1082;
	s9 =	sld [smem:$0x3FB7]  }
0x2f: {  	lr =	sadd.s32 s0, s3;
	s0 =	sld [smem:$0x3FAE]  }
0x30: {  	s3 =	sld [smem:$0x3FB1]  }
0x31: {  	[smem:$0x3FBA] =	sst s10  }
0x32: {  	s10 =	sld [smem:$0x3FB8];
	_ =	sdelay $0x3  }
0x33: {  	p0 =	seq.s32 s10, $0x1;
	s10 =	sld [smem:$0x3FBA];
	_ =	sdelay $0x3  }
0x34: {  	[smem:$0x3FBA] =	sst s10  }
0x35: {  	s10 =	sld [smem:$0x3FB9];
	_ =	sdelay $0x3  }
0x36: {  	p1 =	seq.s32 s10, $0x1;
	s10 =	sld [smem:$0x3FBA];
	_ =	sdelay $0x3  }
0x37: {  	[smem:$0x3FBA] =	sst s10  }
0x38: {  	s10 =	sld [smem:$0x3FBB]  }
0x39: {  	_ = 	snop;
	(pc) =	sbr.ind lr, $3  }
0x3a: {  	_ = 	snop  }
0x3b: {  	_ = 	snop  }
0x3c: {  	p2 =	seq.s32 s10, $0x1;
	s10 =	sld [smem:$0x3FBA]  }
0x3d: {  	_ =	shalt  }
0x3e: {  	_ =	shalt  }
0x3f: {  	_ =	shalt  }
0x40: {  	_ =	shalt  }
0x41: {  	_ =	shalt  }
0x42: {  	_ =	shalt  }
0x43: {  	_ =	shalt  }
0x44: {  	_ =	shalt  }
0x45: {  	_ =	shalt  }
0x46: {  	_ =	shalt  }
0x47: {  	_ =	shalt  }
0x48: {  	_ =	shalt  }
0x49: {  	_ =	shalt  }
0x4a: {  	_ =	shalt  }
0x4b: {  	_ =	shalt  }
0x4c: {  	_ =	shalt  }
0x4d: {  	_ =	shalt  }
0x4e: {  	_ =	shalt  }
0x4f: {  	_ =	shalt  }
0x50: {  	_ =	shalt  }
0x51: {  	_ =	shalt  }
0x52: {  	_ =	shalt  }
0x53: {  	_ =	shalt  }
0x54: {  	_ =	shalt  }
0x55: {  	_ =	shalt  }
0x56: {  	_ =	shalt  }
0x57: {  	_ =	shalt  }
0x58: {  	_ =	shalt  }
0x59: {  	_ =	shalt  }
0x5a: {  	_ =	shalt  }
0x5b: {  	_ =	shalt  }
0x5c: {  	_ =	shalt  }
0x5d: {  	_ =	shalt  }
0x5e: {  	_ =	shalt  }
0x5f: {  	_ =	shalt  }
0x60: {  	_ =	shalt  }
0x61: {  	_ =	shalt  }
0x62: {  	_ =	shalt  }
0x63: {  	_ =	shalt  }
0x64: {  	_ =	shalt  }
0x65: {  	_ =	shalt  }
0x66: {  	_ =	shalt  }
0x67: {  	_ =	shalt  }
0x68: {  	_ =	shalt  }
0x69: {  	_ =	shalt  }
0x6a: {  	_ =	shalt  }
0x6b: {  	_ =	shalt  }
0x6c: {  	_ =	shalt  }
0x6d: {  	_ =	shalt  }
0x6e: {  	_ =	shalt  }
0x6f: {  	_ =	shalt  }
0x70: {  	_ =	shalt  }
0x71: {  	_ =	shalt  }
0x72: {  	_ =	shalt  }
0x73: {  	_ =	shalt  }
0x74: {  	_ =	shalt  }
0x75: {  	_ =	shalt  }
0x76: {  	_ =	shalt  }
0x77: {  	_ =	shalt  }
0x78: {  	_ =	shalt  }
0x79: {  	_ =	shalt  }
0x7a: {  	_ =	shalt  }
0x7b: {  	_ =	shalt  }
0x7c: {  	_ =	shalt  }
0x7d: {  	_ =	shalt  }
0x7e: {  	_ =	shalt  }
0x7f: {  	_ =	shalt  }
0x80: {  	_ =	shalt  }
0x81: {  	_ =	shalt  }
0x82: {  	_ =	shalt  }
0x83: {  	_ =	shalt  }
0x84: {  	_ =	shalt  }
0x85: {  	_ =	shalt  }
0x86: {  	_ =	shalt  }
0x87: {  	_ =	shalt  }
.Lfunc_end0:
.L_simem_size_0:
called_computation_lowered:
.L_overlay_start_0:
0x88: {  	s2 =	sld [smem:$0x3FD9]  }
0x89: {  	s3 =	sld [smem:$0x3FFE];
	_ =	sdelay $0x1  }
0x8a: {  	s1 =	srdreg.scid  }
0x8b: {  	s0 =	sand.u32 $0x1, s1  }
0x8c: {  	s17 =	sshll.u32 s0, $0xA;
	s2 =	sadd.s32 s3, s2  }
0x8d: {  	s2 =	sadd.s32 s2, s17  }
0x8e: {  	[smem:$0x3FC6] =	sst s2  }
0x8f: {  	_ = 	snop  }
0x90: {  	s2 =	sld [smem:$0x3FC8]  }
0x91: {  	s18 =	sld [smem:$0x3FD0];
	(tm) =	ssettm $0x1  }
0x92: {  	s4 =	sld [smem:$0x3FFB];
	_ =	sdelay $0x3  }
0x93: {  	_ =	strace s4  }
0x94: {  	s4 =	sld [smem:$0x3FFC];
	_ =	sdelay $0x3  }
0x95: {  	_ =	strace s4  }
0x96: {  	s4 =	sld [smem:$0x3FFD];
	_ =	sdelay $0x3  }
0x97: {  	_ =	strace s4  }
0x98: {  	_ =	strace $0x8FFFFFFF  }
0x99: {  	s19 =	sld [smem:$0x3FDB];
	_ =	sdelay $0x1  }
0x9a: {  	s5 =	simm.s32 $_scs_section_size  }
0x9b: {  	s6 =	simm.s32 $_size__tile_overlayer_lowered;
	s7 =	simm.s32 $_tile_overlayer_lowered  }
0x9c: {  	s22 =	simm.s32 $0x1BFF;
	s21 =	sshll.u32 s7, $0x1;
	s4 =	sadd.s32 s5, s19  }
0x9d: {  	s8 =	simm.s32 $0x0;
	s20 =	sshll.u32 s6, $0x1;
	s6 =	sadd.s32 s21, s4  }
0x9e: {  	[timem:s8], [sflag:s22] =	dma.local [hbm:s6], s20  }
0x9f: {  	_ =	swait.ge [sflag:s22], s20  }
0xa0: {  	s5 =	ssub.s32 $0x0, s20;
	[sflag:s22] =	ssyncset.done $0x0  }
0xa1: {  	[sflag:s22] =	ssyncadd.s32 s5;
	_ =	sdelay $0x1  }
0xa2: {  	s23 =	simm.s32 $0x1B8B  }
0xa3: {  	_ =	swait.ge [sflag:s23], $0x1  }
0xa4: {  	[sflag:s23] =	ssyncset.done $0x0  }
0xa5: {  	s25 =	simm.s32 $0x1B8E;
	s24 =	sld [smem:$0x3FFE];
	[sflag:s23] =	ssyncadd.s32 $0xFFFFFFFF  }
0xa6: {  	s26 =	simm.s32 $execute0_lowered;
	[smem:$0x3FD2] =	sst s25  }
0xa7: {  	s6 =	sshll.u32 s26, $0x1;
	_ =	strace $0x80000046;
	[dreg:$0x1] =	wrdreg $0xFFFFFFFF  }
0xa8: {  	s28 =	simm.s32 $_size_execute0_lowered;
	s4 =	sadd.s32 s4, s6;
	[dreg:$0x0] =	wrdreg $0x0  }
0xa9: {  	s6 =	sshll.u32 s28, $0x1;
	[dreg:$0x2] =	wrdreg s4  }
0xaa: {  	[dreg:$0x3] =	wrdreg s6  }
0xab: {  	[dreg:$0x4] =	wrdreg $0xC0  }
0xac: {  	_ =	task [dreg:s8], $0x5FFFF  }
0xad: {  	[dreg:$0x1] =	wrdreg $0xFFFFFFFF  }
0xae: {  	[dreg:$0x0] =	wrdreg $0x60  }
0xaf: {  	[dreg:$0x2] =	wrdreg s24  }
0xb0: {  	[dreg:$0x3] =	wrdreg s2  }
0xb1: {  	[dreg:$0x4] =	wrdreg s18  }
0xb2: {  	[dreg:$0x5] =	wrdreg $0x9  }
0xb3: {  	_ =	task.clear_ibuf [dreg:s8], $0x6FFFF;
	_ =	strace $0x90000046  }
0xb4: {  	s29 =	simm.s32 $0x9;
	_ =	strace $0x80000048  }
0xb5: {  	_ =	swait.ge [sflag:s29], $0x1  }
0xb6: {  	[sflag:s29] =	ssyncadd.s32 $0xFFFFFFFF  }
0xb7: {  	_ =	strace $0x90000048  }
0xb8: {  	_ =	sfence  }
0xb9: {  	s30 =	sld [smem:$0x0];
	_ =	sdelay $0x2  }
0xba: {  	s31 =	sshll.u32 s1, $0xD;
	s1 =	sshrl.u32 s1, $0x2  }
0xbb: {  	s3 =	sand.u32 $0x4000, s31;
	s1 =	sadd.s32 s1, s30  }
0xbc: {  	s0 =	sor.u32 s3, s0;
	s1 =	sshll.u32 s1, $0x11  }
0xbd: {  	s0 =	sor.u32 s1, s0  }
0xbe: {  	s0 =	sadd.s32 $0x8F2B, s0  }
0xbf: {  	[sflag:s0] =	ssyncadd.remote.s32 $0x1  }
0xc0: {  	_ =	sfence.sel $0xFFFF  }
0xc1: {  	[dreg:$0x0] =	wrdreg $0xFFFFFFFF;
	(pc) =	sbr.abs _section_cstart, $3  }
0xc2: {  	[dreg:$0x1] =	wrdreg $0xFFFFFFFF  }
0xc3: {  	_ =	task.clear_ibuf [dreg:s8], $0x2FFFF;
	_ =	strace $0x9FFFFFFF  }
0xc4: {  	(tm) =	ssettm $0x7FFFFFFF  }
0xc5: {  	_ =	shalt  }
tec
execute0_lowered:
.L_overlay_start_1:
0x0: {  	(tag) =	ssettag $0x1  }
0x1: {  	s0 =	rddreg [dreg:$0x0]  }
0x2: {  	s1 =	srdreg.scid;
	s2 =	rddreg [dreg:$0x1]  }
0x3: {  	s9 =	stileid.u32;
	s10 =	rddreg [dreg:$0x2];
	s4 =	simm.s32 $0x0  }
0x4: {  	s14 =	simm.s32 $0x40;
	s28 =	simm.s32 $0xF400;
	s29 =	simm.s32 $0x2  }
0x5: {  	s30 =	simm.s32 $0x11400;
	s31 =	simm.s32 $0x3;
	s7 =	smul.u32 $0x190000, s9  }
0x6: {  	s16 =	simm.s32 $0x5;
	s1 =	sand.u32 $0x1, s1;
	s21 =	smul.u32 $0x32000, s9  }
0x7: {  	s18 =	simm.s32 $0x7;
	s3 =	sshll.u32 s9, $0x1;
	s8 =	smul.u32 $0xC8000, s1  }
0x8: {  	s3 =	sor.u32 s1, s3;
	s6 =	ssub.s32 $0x2, s1;
	s1 =	smul.u32 $0x19000, s1  }
0x9: {  	s13 =	simm.s32 $0x10;
	[smem:$0x7FF] =	sst s4;
	s5 =	smul.u32 $0x680, s3  }
0xa: {  	s15 =	simm.s32 $0x0;
	_ =	strace $0x80000047;
	s3 =	smul.u32 $0x19000, s3  }
0xb: {  	s20 =	sshrl.u32 s6, $0x1;
	s22 =	sadd.s32 s8, s7;
	s8 =	sadd.s32 s1, s21  }
0xc: {  	s1 =	simm.s32 $0x13400;
	s0 =	sadd.s32 s5, s0;
	s5 =	ssub.s32 s6, s20  }
0xd: {  	s3 =	sadd.s32 s10, s3;
	s23 =	sadd.s32 $0x12000, s22;
	s24 =	sadd.s32 $0x10000, s22  }
0xe: {  	s25 =	sadd.s32 $0xE000, s22;
	s26 =	sadd.s32 $0xC000, s22;
	s20 =	simm.s32 $0x8  }
.Ltmp0:
0xf: {  	s22 =	simm.s32 $0x9;
	s0 =	sadd.s32 $0x400, s0;
	(pc) =	sbr.rel .LBB2_1-.Ltmp0, $4  }
0x10: {  	s5 =	smax.u32 s5, $0x1;
	s7 =	sadd.s32 $0x17C00, s3;
	s9 =	sshrl.u32 s23, $0x3  }
0x11: {  	s10 =	sshrl.u32 s24, $0x3;
	s11 =	sshrl.u32 s25, $0x3;
	s12 =	sshrl.u32 s26, $0x3  }
0x12: {  	s26 =	simm.s32 $0x1;
	s3 =	simm.s32 $0x15400;
	[dreg:$0x4] =	wrdreg s0  }
0x13: {  	s24 =	simm.s32 $0xA;
	[dreg:$0x5] =	wrdreg s5;
	s0 =	simm.s32 $0x4  }
.LBB2_4:
0x14: {  	s5 =	simm.s32 $0xB  }
0x15: {  	_ =	swait.ge [sflag:s5], $0x2000  }
0x16: {  	[sflag:s5] =	ssyncset.done $0x0  }
0x17: {  	s25 =	simm.s32 $0xC;
	[sflag:s5] =	ssyncadd.s32 $0xFFFFE000  }
0x18: {  	_ =	swait.ge [sflag:s25], $0x2000  }
0x19: {  	[sflag:s25] =	ssyncset.done $0x0  }
0x1a: {  	s6 =	simm.s32 $0xD;
	[sflag:s25] =	ssyncadd.s32 $0xFFFFE000  }
0x1b: {  	_ =	swait.ge [sflag:s6], $0x2000  }
0x1c: {  	[sflag:s6] =	ssyncset.done $0x0  }
0x1d: {  	s15 =	simm.s32 $0xE;
	[sflag:s6] =	ssyncadd.s32 $0xFFFFE000  }
0x1e: {  	_ =	swait.ge [sflag:s15], $0x2000  }
0x1f: {  	[sflag:s15] =	ssyncset.done $0x0  }
0x20: {  	s17 =	simm.s32 $0xF;
	[sflag:s15] =	ssyncadd.s32 $0xFFFFE000  }
0x21: {  	_ =	swait.ge [sflag:s17], $0x2000  }
0x22: {  	[sflag:s17] =	ssyncset.done $0x0  }
0x23: {  	[sflag:s17] =	ssyncadd.s32 $0xFFFFE000  }
0x24: {  	_ =	swait.ge [sflag:s13], $0x2000  }
0x25: {  	[sflag:s13] =	ssyncset.done $0x0  }
0x26: {  	s19 =	simm.s32 $0x11;
	[sflag:s13] =	ssyncadd.s32 $0xFFFFE000  }
0x27: {  	_ =	swait.ge [sflag:s19], $0x2000  }
0x28: {  	[sflag:s19] =	ssyncset.done $0x0  }
0x29: {  	s21 =	simm.s32 $0x12;
	[sflag:s19] =	ssyncadd.s32 $0xFFFFE000  }
0x2a: {  	_ =	swait.ge [sflag:s21], $0x2000  }
0x2b: {  	[sflag:s21] =	ssyncset.done $0x0  }
0x2c: {  	s23 =	simm.s32 $0x13;
	[sflag:s21] =	ssyncadd.s32 $0xFFFFE000  }
0x2d: {  	_ =	swait.ge [sflag:s23], $0x2000  }
0x2e: {  	[sflag:s23] =	ssyncset.done $0x0  }
0x2f: {  	s6 =	simm.s32 $0x14;
	[sflag:s23] =	ssyncadd.s32 $0xFFFFE000  }
0x30: {  	_ =	swait.ge [sflag:s6], $0x2000  }
0x31: {  	s15 =	rddreg [dreg:$0x6]  }
0x32: {  	s25 =	rddreg [dreg:$0x5];
	s15 =	sadd.s32 $0x1, s15  }
0x33: {  	p0 =	sne.s32 s15, s25  }
.Ltmp1:
0x34: {  	_ = 	snop;
	(pc) =	sbr.rel @!p0 .LBB2_5-.Ltmp1, $3  }
0x35: {  	_ =	sdelay $0x1  }
0x36: {  	[sflag:s6] =	ssyncset.done $0x0  }
0x37: {  	[sflag:s6] =	ssyncadd.s32 $0xFFFFE000  }
.LBB2_1:
0x38: {  	[dreg:$0x6] =	wrdreg s15  }
0x39: {  	s5 =	rddreg [dreg:$0x4];
	s17 =	simm.s32 $0x15  }
0x3a: {  	[tilespmem:s4], [sflag:$0x15] =	stream.linear.gather [hbm4b:s5+s4], $0x3200, $0x38;
	[tilespmem:$0x17400] =	vst v63  }
0x3b: {  	_ =	swait.ge [sflag:s17], $0x3200  }
0x3c: {  	[sflag:s17] =	ssyncset.done $0x0  }
0x3d: {  	s19 =	simm.s32 $0x3400;
	[sflag:s17] =	ssyncadd.s32 $0xFFFFCE00  }
0x3e: {  	[tilespmem:s19], [sflag:$0x1] =	stream.indirect.gather [hbm4b:s2+s14], $0x80, s4, s14, $0xb8;
	[tilespmem:$0x17400] =	vst v63  }
0x3f: {  	s21 =	simm.s32 $0x80;
	s6 =	simm.s32 $0x5400  }
0x40: {  	[tilespmem:s6], [sflag:$0x2] =	stream.indirect.gather [hbm4b:s2+s14], $0x80, s21, s14, $0xb8;
	[tilespmem:$0x17400] =	vst v63  }
0x41: {  	s23 =	simm.s32 $0x100;
	s25 =	simm.s32 $0x7400  }
0x42: {  	[tilespmem:s25], [sflag:$0x3] =	stream.indirect.gather [hbm4b:s2+s14], $0x80, s23, s14, $0xb8;
	[tilespmem:$0x17400] =	vst v63  }
0x43: {  	s15 =	simm.s32 $0x180;
	s17 =	simm.s32 $0x9400  }
0x44: {  	[tilespmem:s17], [sflag:$0x4] =	stream.indirect.gather [hbm4b:s2+s14], $0x80, s15, s14, $0xb8;
	[tilespmem:$0x17400] =	vst v63  }
0x45: {  	s5 =	simm.s32 $0x0;
	s19 =	simm.s32 $0x200;
	s21 =	simm.s32 $0xB400  }
0x46: {  	[tilespmem:s21], [sflag:$0x5] =	stream.indirect.gather [hbm4b:s2+s14], $0x80, s19, s14, $0xb8;
	[tilespmem:$0x17400] =	vst v63  }
0x47: {  	s6 =	rddreg [dreg:$0x2];
	s23 =	simm.s32 $0x280;
	s25 =	simm.s32 $0xD400  }
0x48: {  	[tilespmem:s25], [sflag:$0x6] =	stream.indirect.gather [hbm4b:s2+s14], $0x80, s23, s14, $0xb8;
	[tilespmem:$0x17400] =	vst v63  }
.LBB2_2:
0x49: {  	_ =	swait.ge [sflag:s26], $0x2000  }
0x4a: {  	s17 =	sadd.s32 s6, s8;
	p0 =	seq.s32 s5, $0x0;
	[sflag:s26] =	ssyncset.done $0x0  }
0x4b: {  	s15 =	simm.s32 $0x3400;
	s25 =	simm.s32 @!p0 $0x11;
	[sflag:s26] =	ssyncadd.s32 $0xFFFFE000  }
0x4c: {  	[hbm4b:s17+s4] =	stream.linear.scatter [tilespmem:s15], [sflag:$0xB], $0x2000, $0x38;
	[tilespmem:$0x17400] =	vst v63  }
0x4d: {  	_ =	swait.ge @!p0 [sflag:s25], $0x2000  }
0x4e: {  	s15 =	sshra.s32 s5, $0x2;
	[sflag:s25] =	ssyncset.done @!p0 $0x0  }
0x4f: {  	s21 =	sadd.s32 $0x300, s15;
	[sflag:s25] =	ssyncadd.s32 @!p0 $0xFFFFE000  }
0x50: {  	[tilespmem:s28], [sflag:$0x7] =	stream.indirect.gather [hbm4b:s2+s14], $0x80, s21, s14, $0xb8;
	[tilespmem:$0x17400] =	vst v63  }
0x51: {  	_ =	swait.ge [sflag:s29], $0x2000  }
0x52: {  	s19 =	simm.s32 $0x5400;
	[sflag:s29] =	ssyncset.done $0x0  }
0x53: {  	s23 =	sadd.s32 $0x400, s17;
	s25 =	simm.s32 @!p0 $0x12;
	[sflag:s29] =	ssyncadd.s32 $0xFFFFE000  }
0x54: {  	[hbm4b:s23+s4] =	stream.linear.scatter [tilespmem:s19], [sflag:$0xC], $0x2000, $0x38;
	[tilespmem:$0x17400] =	vst v63  }
0x55: {  	_ =	swait.ge @!p0 [sflag:s25], $0x2000  }
0x56: {  	[sflag:s25] =	ssyncset.done @!p0 $0x0  }
0x57: {  	s19 =	sadd.s32 $0x380, s15;
	[sflag:s25] =	ssyncadd.s32 @!p0 $0xFFFFE000  }
0x58: {  	[tilespmem:s30], [sflag:$0x8] =	stream.indirect.gather [hbm4b:s2+s14], $0x80, s19, s14, $0xb8;
	[tilespmem:$0x17400] =	vst v63  }
0x59: {  	_ =	swait.ge [sflag:s31], $0x2000  }
0x5a: {  	s21 =	sadd.s32 $0x800, s17;
	[sflag:s31] =	ssyncset.done $0x0  }
0x5b: {  	s23 =	simm.s32 $0x7400;
	s25 =	simm.s32 @!p0 $0x13;
	[sflag:s31] =	ssyncadd.s32 $0xFFFFE000  }
0x5c: {  	[hbm4b:s21+s4] =	stream.linear.scatter [tilespmem:s23], [sflag:$0xD], $0x2000, $0x38;
	[tilespmem:$0x17400] =	vst v63  }
0x5d: {  	_ =	swait.ge @!p0 [sflag:s25], $0x2000  }
0x5e: {  	[sflag:s25] =	ssyncset.done @!p0 $0x0  }
0x5f: {  	s19 =	sadd.s32 $0x400, s15;
	[sflag:s25] =	ssyncadd.s32 @!p0 $0xFFFFE000  }
0x60: {  	[tilespmem:s1], [sflag:$0x9] =	stream.indirect.gather [hbm4b:s2+s14], $0x80, s19, s14, $0xb8;
	[tilespmem:$0x17400] =	vst v63  }
0x61: {  	_ =	swait.ge [sflag:s0], $0x2000  }
0x62: {  	s21 =	sadd.s32 $0xC00, s17;
	[sflag:s0] =	ssyncset.done $0x0  }
0x63: {  	s23 =	simm.s32 $0x9400;
	s25 =	simm.s32 @!p0 $0x14;
	[sflag:s0] =	ssyncadd.s32 $0xFFFFE000  }
0x64: {  	[hbm4b:s21+s4] =	stream.linear.scatter [tilespmem:s23], [sflag:$0xE], $0x2000, $0x38;
	[tilespmem:$0x17400] =	vst v63  }
0x65: {  	_ =	swait.ge @!p0 [sflag:s25], $0x2000  }
0x66: {  	[sflag:s25] =	ssyncset.done @!p0 $0x0  }
0x67: {  	s19 =	sadd.s32 $0x480, s15;
	[sflag:s25] =	ssyncadd.s32 @!p0 $0xFFFFE000  }
0x68: {  	[tilespmem:s3], [sflag:$0xA] =	stream.indirect.gather [hbm4b:s2+s14], $0x80, s19, s14, $0xb8;
	[tilespmem:$0x17400] =	vst v63  }
0x69: {  	_ =	swait.ge [sflag:s16], $0x2000  }
0x6a: {  	s17 =	sadd.s32 $0x1000, s17;
	[sflag:s16] =	ssyncset.done $0x0  }
0x6b: {  	s21 =	simm.s32 $0xB400;
	p0 =	seq.s32 s5, $0xB400;
	[sflag:s16] =	ssyncadd.s32 $0xFFFFE000  }
0x6c: {  	[hbm4b:s17+s4] =	stream.linear.scatter [tilespmem:s21], [sflag:$0xF], $0x2000, $0x38;
	[tilespmem:$0x17400] =	vst v63  }
0x6d: {  	s17 =	simm.s32 @p0 $0x6  }
0x6e: {  	_ =	swait.ge @p0 [sflag:s17], $0x2000  }
0x6f: {  	[sflag:s17] =	ssyncset.done @p0 $0x0  }
0x70: {  	s25 =	simm.s32 @p0 $0xD400;
	[sflag:s17] =	ssyncadd.s32 @p0 $0xFFFFE000;
	s17 =	simm.s32 @p0 $0x0  }
0x71: {  	[hbm4b:s7+s17] =	stream.linear.scatter @p0 [tilespmem:s25], [sflag:$0x10], $0x2000, $0x38;
	[tilespmem:$0x17400] =	vst v63  }
0x72: {  	s17 =	simm.s32 @!p0 $0xB  }
0x73: {  	_ =	swait.ge @!p0 [sflag:s17], $0x2000  }
0x74: {  	[sflag:s17] =	ssyncset.done @!p0 $0x0  }
0x75: {  	[sflag:s17] =	ssyncadd.s32 @!p0 $0xFFFFE000;
	s17 =	sshra.s32 @!p0 s5, $0x2  }
0x76: {  	s19 =	simm.s32 @!p0 $0x40;
	s21 =	simm.s32 @!p0 $0x3400;
	s25 =	sadd.s32 @!p0 $0x500, s17  }
0x77: {  	[tilespmem:s21], [sflag:$0x1] =	stream.indirect.gather @!p0 [hbm4b:s2+s19], $0x80, s25, s19, $0xb8;
	[tilespmem:$0x17400] =	vst v63  }
0x78: {  	s21 =	simm.s32 @!p0 $0x6  }
0x79: {  	_ =	swait.ge @!p0 [sflag:s21], $0x2000  }
0x7a: {  	[sflag:s21] =	ssyncset.done @!p0 $0x0  }
0x7b: {  	[sflag:s21] =	ssyncadd.s32 @!p0 $0xFFFFE000;
	s21 =	sadd.s32 @!p0 s6, s8  }
0x7c: {  	s23 =	simm.s32 @!p0 $0xD400;
	s25 =	simm.s32 @!p0 $0x0;
	s21 =	sadd.s32 @!p0 $0x1400, s21  }
0x7d: {  	[hbm4b:s21+s25] =	stream.linear.scatter @!p0 [tilespmem:s23], [sflag:$0x10], $0x2000, $0x38;
	[tilespmem:$0x17400] =	vst v63  }
0x7e: {  	s21 =	simm.s32 @!p0 $0xC  }
0x7f: {  	_ =	swait.ge @!p0 [sflag:s21], $0x2000  }
0x80: {  	[sflag:s21] =	ssyncset.done @!p0 $0x0  }
0x81: {  	s23 =	simm.s32 @!p0 $0x5400;
	[sflag:s21] =	ssyncadd.s32 @!p0 $0xFFFFE000;
	s21 =	sadd.s32 @!p0 $0x580, s17  }
0x82: {  	[tilespmem:s23], [sflag:$0x2] =	stream.indirect.gather @!p0 [hbm4b:s2+s19], $0x80, s21, s19, $0xb8;
	[tilespmem:$0x17400] =	vst v63  }
0x83: {  	_ =	swait.ge [sflag:s18], $0x2000  }
0x84: {  	[sflag:s18] =	ssyncset.done $0x0  }
0x85: {  	s23 =	sadd.s32 s6, s12;
	s21 =	simm.s32 @!p0 $0xD;
	[sflag:s18] =	ssyncadd.s32 $0xFFFFE000  }
0x86: {  	[hbm4b:s23+s4] =	stream.linear.scatter [tilespmem:s28], [sflag:$0x11], $0x2000, $0x38;
	[tilespmem:$0x17400] =	vst v63  }
0x87: {  	_ =	swait.ge @!p0 [sflag:s21], $0x2000  }
0x88: {  	[sflag:s21] =	ssyncset.done @!p0 $0x0  }
0x89: {  	s23 =	simm.s32 @!p0 $0x7400;
	[sflag:s21] =	ssyncadd.s32 @!p0 $0xFFFFE000;
	s21 =	sadd.s32 @!p0 $0x600, s17  }
0x8a: {  	[tilespmem:s23], [sflag:$0x3] =	stream.indirect.gather @!p0 [hbm4b:s2+s19], $0x80, s21, s19, $0xb8;
	[tilespmem:$0x17400] =	vst v63  }
0x8b: {  	_ =	swait.ge [sflag:s20], $0x2000  }
0x8c: {  	[sflag:s20] =	ssyncset.done $0x0  }
0x8d: {  	s25 =	sadd.s32 s6, s11;
	s21 =	simm.s32 @!p0 $0xE;
	[sflag:s20] =	ssyncadd.s32 $0xFFFFE000  }
0x8e: {  	[hbm4b:s25+s4] =	stream.linear.scatter [tilespmem:s30], [sflag:$0x12], $0x2000, $0x38;
	[tilespmem:$0x17400] =	vst v63  }
0x8f: {  	_ =	swait.ge @!p0 [sflag:s21], $0x2000  }
0x90: {  	[sflag:s21] =	ssyncset.done @!p0 $0x0  }
0x91: {  	s23 =	simm.s32 @!p0 $0x9400;
	[sflag:s21] =	ssyncadd.s32 @!p0 $0xFFFFE000;
	s21 =	sadd.s32 @!p0 $0x680, s17  }
0x92: {  	[tilespmem:s23], [sflag:$0x4] =	stream.indirect.gather @!p0 [hbm4b:s2+s19], $0x80, s21, s19, $0xb8;
	[tilespmem:$0x17400] =	vst v63  }
0x93: {  	_ =	swait.ge [sflag:s22], $0x2000  }
0x94: {  	[sflag:s22] =	ssyncset.done $0x0  }
0x95: {  	s23 =	sadd.s32 s6, s10;
	s21 =	simm.s32 @!p0 $0xF;
	[sflag:s22] =	ssyncadd.s32 $0xFFFFE000  }
0x96: {  	[hbm4b:s23+s4] =	stream.linear.scatter [tilespmem:s1], [sflag:$0x13], $0x2000, $0x38;
	[tilespmem:$0x17400] =	vst v63  }
0x97: {  	_ =	swait.ge @!p0 [sflag:s21], $0x2000  }
0x98: {  	[sflag:s21] =	ssyncset.done @!p0 $0x0  }
0x99: {  	s17 =	sadd.s32 @!p0 $0x700, s17;
	[sflag:s21] =	ssyncadd.s32 @!p0 $0xFFFFE000;
	s21 =	simm.s32 @!p0 $0xB400  }
0x9a: {  	[tilespmem:s21], [sflag:$0x5] =	stream.indirect.gather @!p0 [hbm4b:s2+s19], $0x80, s17, s19, $0xb8;
	[tilespmem:$0x17400] =	vst v63  }
.Ltmp2:
0x9b: {  	_ = 	snop;
	(pc) =	sbr.rel @p0 .LBB2_4-.Ltmp2, $4  }
0x9c: {  	_ =	swait.ge [sflag:s24], $0x2000  }
0x9d: {  	[sflag:s24] =	ssyncset.done $0x0  }
0x9e: {  	s25 =	sadd.s32 s6, s9;
	[sflag:s24] =	ssyncadd.s32 $0xFFFFE000  }
0x9f: {  	[hbm4b:s25+s4] =	stream.linear.scatter [tilespmem:s3], [sflag:$0x14], $0x2000, $0x38;
	[tilespmem:$0x17400] =	vst v63  }
.Ltmp3:
0xa0: {  	(pc) =	sbr.rel .LBB2_2-.Ltmp3, $4  }
0xa1: {  	_ =	swait.ge [sflag:s13], $0x2000  }
0xa2: {  	s15 =	sadd.s32 $0x780, s15;
	s17 =	simm.s32 $0xD400;
	[sflag:s13] =	ssyncset.done $0x0  }
0xa3: {  	s5 =	sadd.s32 $0x1400, s5;
	s6 =	sadd.s32 $0x2800, s6;
	[sflag:s13] =	ssyncadd.s32 $0xFFFFE000  }
0xa4: {  	[tilespmem:s17], [sflag:$0x6] =	stream.indirect.gather [hbm4b:s2+s14], $0x80, s15, s14, $0xb8;
	[tilespmem:$0x17400] =	vst v63  }
.LBB2_5:
0xa5: {  	_ =	sfence.sel $0x180000  }
0xa6: {  	[bflag:$0x0] =	sbarrier.arrive $0xFFFF  }
0xa7: {  	_ =	strace $0x90000047  }
0xa8: {  	s0 =	stileid.u32;
	[bflag:$0x2] =	sbarrier.arrive $0xFFFF  }
0xa9: {  	p0 =	sne.s32 s0, $0x0;
	s0 =	rddreg [dreg:$0x3]  }
0xaa: {  	s0 =	sadd.s32 @!p0 $0x100000, s0  }
0xab: {  	[sflag:s0] =	ssyncadd.tile.s32 @!p0 $0x1;
	_ =	shalt  }
.Lfunc_end2:
_tile_overlayer_lowered:
.L_overlay_start_2:
0xac: {  	(tag) =	ssettag $0x2  }
0xad: {  	s0 =	rddreg [dreg:$0x0];
	s2 =	stileid.u32  }
0xae: {  	s1 =	rddreg [dreg:$0x1];
	p0 =	sne.s32 s2, $0x0  }
0xaf: {  	s3 =	rddreg [dreg:$0x2];
	[bflag:$0x3] =	sbarrier.arrive $0xFFFF;
	s2 =	simm.s32 @!p0 $0x1C15  }
0xb0: {  	[timem:s3], [sflag:s2] =	dma.local @!p0 [hbm:s0], s1  }
0xb1: {  	s0 =	simm.s32 @!p0 $0x15  }
0xb2: {  	_ =	swait.ge @!p0 [sflag:s0], s1  }
0xb3: {  	s1 =	ssub.s32 @!p0 $0x0, s1;
	[sflag:s0] =	ssyncset.done @!p0 $0x0  }
0xb4: {  	[sflag:s0] =	ssyncadd.s32 @!p0 s1  }
0xb5: {  	[bflag:$0x3] =	sbarrier.arrive $0xFFFF  }
0xb6: {  	_ =	shalt  }

</sc_bundles>
